<compile_context>
chip_gen: v7x
topology: tpu7x:2x2x1
jax: 0.10.2.dev20260603
libtpu: 0.0.44.dev20260713+nightly
codegen_flags: <defaults>
</compile_context>

<pallas_src>
import functools

import jax
import jax.numpy as jnp
from jax import lax
from jax.experimental import pallas as pl
from jax.experimental.pallas import tpu as pltpu
from jax.experimental.pallas import tpu_sc as plsc

N_NODES = 10000
D = 128
LN_EPS = 1e-5

NC = 2
NS = 16
NW = NC * NS
K = 128
NB = 80
E_PAD = NW * NB * K
CH = 8

ACC_ROWS = 10240
RPT = ACC_ROWS // NS

_STRIPE_CHUNKS = [(i * K, K) for i in range(RPT // K)]
if RPT % K:
  _STRIPE_CHUNKS.append(((RPT // K) * K, RPT % K))

_MESH = plsc.VectorSubcoreMesh(core_axis_name="c", subcore_axis_name="s")


@functools.partial(
    pl.kernel,
    out_type=jax.ShapeDtypeStruct((NC, ACC_ROWS), jnp.float32),
    mesh=_MESH,
    compiler_params=pltpu.CompilerParams(needs_layout_passes=False),
    scratch_types=[
        pltpu.VMEM((NB, K), jnp.int32),
        pltpu.VMEM((ACC_ROWS,), jnp.float32),
        pltpu.VMEM((NS, RPT), jnp.float32),
        pltpu.VMEM((RPT,), jnp.float32),
        pltpu.VMEM_SHARED((NS, ACC_ROWS), jnp.float32),
        pltpu.SemaphoreType.DMA,
    ],
)
def _hist_call(dst_hbm, deg_hbm, dst_v, hist_v, col_v, row_v, hist_sh, sem):
  c = lax.axis_index("c")
  s = lax.axis_index("s")
  wid = c * NS + s
  pltpu.sync_copy(dst_hbm.at[wid], dst_v)

  zeros = jnp.zeros((16,), jnp.float32)

  def zbody(i, carry):
    hist_v[pl.ds(i * 16, 16)] = zeros
    return carry

  lax.fori_loop(0, ACC_ROWS // 16, zbody, 0)

  ones = jnp.ones((16,), jnp.float32)

  def body(r, carry):
    for l in range(K // 16):
      idx = dst_v[r, pl.ds(l * 16, 16)]
      plsc.addupdate_scatter(hist_v, [idx], ones)
    return carry

  lax.fori_loop(0, NB, body, 0)
  pltpu.sync_copy(hist_v, hist_sh.at[s])
  plsc.subcore_barrier()
  base = s * RPT
  pltpu.sync_copy(hist_sh.at[:, pl.ds(base, RPT)], col_v)

  def rbody(j, carry):
    acc = col_v[0, pl.ds(j * 16, 16)]
    for t in range(1, NS):
      acc = acc + col_v[t, pl.ds(j * 16, 16)]
    row_v[pl.ds(j * 16, 16)] = acc
    return carry

  lax.fori_loop(0, RPT // 16, rbody, 0)
  pltpu.sync_copy(row_v, deg_hbm.at[c].at[pl.ds(base, RPT)])


@functools.partial(
    pl.kernel,
    out_type=jax.ShapeDtypeStruct((NC, ACC_ROWS, D), jnp.float32),
    mesh=_MESH,
    scratch_types=[
        pltpu.VMEM((CH, K), jnp.int32),
        pltpu.VMEM((CH, K), jnp.int32),
        pltpu.VMEM((K, D), jnp.float32),
        pltpu.VMEM((K, D), jnp.float32),
        pltpu.VMEM_SHARED((ACC_ROWS, D), jnp.float32),
        pltpu.SemaphoreType.DMA,
        pltpu.SemaphoreType.DMA,
    ],
)
def _agg_call(src_hbm, dst_hbm, y_hbm, zeros_hbm, acc_hbm, src_v, dst_v, buf0,
              buf1, acc_sh, sem0, sem1):
  c = lax.axis_index("c")
  s = lax.axis_index("s")
  wid = c * NS + s
  pltpu.sync_copy(zeros_hbm, buf0)
  base = s * RPT
  for off, sz in _STRIPE_CHUNKS:
    pltpu.sync_copy(buf0.at[pl.ds(0, sz)], acc_sh.at[pl.ds(base + off, sz)])
  plsc.subcore_barrier()

  def chunk_body(ch, carry):
    pltpu.sync_copy(src_hbm.at[wid].at[pl.ds(ch * CH, CH)], src_v)
    pltpu.sync_copy(dst_hbm.at[wid].at[pl.ds(ch * CH, CH)], dst_v)
    pltpu.async_copy(y_hbm.at[src_v.at[0]], buf0, sem0)

    def body(i, c2):
      j = 2 * i
      pltpu.async_copy(y_hbm.at[src_v.at[j + 1]], buf1, sem1)
      pltpu.make_async_copy(y_hbm.at[src_v.at[j]], buf0, sem0).wait()
      pltpu.sync_copy(buf0, acc_sh.at[dst_v.at[j]], add=True)

      @pl.when(j + 2 < CH)
      def _():
        pltpu.async_copy(y_hbm.at[src_v.at[j + 2]], buf0, sem0)

      pltpu.make_async_copy(y_hbm.at[src_v.at[j + 1]], buf1, sem1).wait()
      pltpu.sync_copy(buf1, acc_sh.at[dst_v.at[j + 1]], add=True)
      return c2

    lax.fori_loop(0, CH // 2, body, 0)
    return carry

  lax.fori_loop(0, NB // CH, chunk_body, 0)
  plsc.subcore_barrier()
  for off, sz in _STRIPE_CHUNKS:
    pltpu.sync_copy(acc_sh.at[pl.ds(base + off, sz)],
                    acc_hbm.at[c].at[pl.ds(base + off, sz)])


_ROWS_BLK = 1000
_GRID = N_NODES // _ROWS_BLK


def _y_body(d_ref0, d_ref1, x_ref, w_ref, y_ref):
  deg = d_ref0[0] + d_ref1[0] + 1.0
  dinv = lax.rsqrt(deg)
  xw = jnp.dot(x_ref[...], w_ref[...], preferred_element_type=jnp.float32)
  y_ref[...] = xw * dinv


def _y_call(d0, d1, x, W):
  return pl.pallas_call(
      _y_body,
      grid=(_GRID,),
      in_specs=[
          pl.BlockSpec((1, _ROWS_BLK, 1), lambda i: (i, 0, 0)),
          pl.BlockSpec((1, _ROWS_BLK, 1), lambda i: (i, 0, 0)),
          pl.BlockSpec((_ROWS_BLK, D), lambda i: (i, 0)),
          pl.BlockSpec((D, D), lambda i: (0, 0)),
      ],
      out_specs=pl.BlockSpec((_ROWS_BLK, D), lambda i: (i, 0)),
      out_shape=jax.ShapeDtypeStruct((N_NODES, D), jnp.float32),
  )(d0, d1, x, W)


def _fin_body(a_ref0, a_ref1, y_ref, d_ref0, d_ref1, b_ref, g_ref, be_ref,
              o_ref):
  deg = d_ref0[0] + d_ref1[0] + 1.0
  dinv = lax.rsqrt(deg)
  srow = (a_ref0[0] + a_ref1[0] + y_ref[...]) * dinv + b_ref[...]
  mean = jnp.mean(srow, axis=1, keepdims=True)
  cen = srow - mean
  var = jnp.mean(cen * cen, axis=1, keepdims=True)
  o_ref[...] = jnp.maximum(
      cen * lax.rsqrt(var + LN_EPS) * g_ref[...] + be_ref[...], 0.0)


def _fin_call(acc, y, d0, d1, b, gamma, beta):
  return pl.pallas_call(
      _fin_body,
      grid=(_GRID,),
      in_specs=[
          pl.BlockSpec((1, _ROWS_BLK, D), lambda i: (0, i, 0)),
          pl.BlockSpec((1, _ROWS_BLK, D), lambda i: (1, i, 0)),
          pl.BlockSpec((_ROWS_BLK, D), lambda i: (i, 0)),
          pl.BlockSpec((1, _ROWS_BLK, 1), lambda i: (i, 0, 0)),
          pl.BlockSpec((1, _ROWS_BLK, 1), lambda i: (i, 0, 0)),
          pl.BlockSpec((1, D), lambda i: (0, 0)),
          pl.BlockSpec((1, D), lambda i: (0, 0)),
          pl.BlockSpec((1, D), lambda i: (0, 0)),
      ],
      out_specs=pl.BlockSpec((_ROWS_BLK, D), lambda i: (i, 0)),
      out_shape=jax.ShapeDtypeStruct((N_NODES, D), jnp.float32),
  )(acc, acc, y, d0, d1, b, gamma, beta)


def kernel(x, edge_index, W, b, gamma, beta):
  e = edge_index.shape[1]
  pad = E_PAD - e
  pad_src = jnp.arange(pad, dtype=jnp.int32) % N_NODES
  pad_dst = N_NODES + jnp.arange(pad, dtype=jnp.int32) % (ACC_ROWS - N_NODES)
  src = jnp.concatenate([edge_index[0], pad_src]).reshape(NW, NB, K)
  dst = jnp.concatenate([edge_index[1], pad_dst]).reshape(NW, NB, K)

  zeros_rows = jnp.zeros((K, D), jnp.float32)

  deg_p = _hist_call(dst)
  d0 = deg_p[0, :N_NODES].reshape(_GRID, _ROWS_BLK, 1)
  d1 = deg_p[1, :N_NODES].reshape(_GRID, _ROWS_BLK, 1)
  y = _y_call(d0, d1, x, W)
  acc = _agg_call(src, dst, y, zeros_rows)
  return _fin_call(acc, y, d0, d1, b.reshape(1, D), gamma.reshape(1, D),
                   beta.reshape(1, D))

# --- scband reference (transcript-rebuilt; emitter-appended) ---
"""Pipeline reference for scband-gnn-83562883711168 (READ-ONLY COPY).

The authoritative reference and input builder live on the scoring server;
editing this copy changes nothing except your own understanding.
"""

import jax, jax.numpy as jnp
import numpy as np

N = 10000
E = 320000
D_IN = 128
D_OUT = 128
LN_EPS = 1e-5


def setup_inputs(seed: int = 0) -> dict:
    key = jax.random.key(seed)
    k1, k2, k3 = jax.random.split(key, 3)
    x = jax.random.normal(k1, (N, D_IN), dtype=jnp.float32)
    edge_index = jax.random.randint(k2, (2, E), 0, N, dtype=jnp.int32)
    # GCNConv linear weight (stored [out,in] in PyG; we keep [in,out] and matmul directly)
    W = jax.random.normal(k3, (D_IN, D_OUT), dtype=jnp.float32) * 0.05
    b = jnp.zeros((D_OUT,), dtype=jnp.float32)
    gamma = jnp.ones((D_OUT,), dtype=jnp.float32)
    beta = jnp.zeros((D_OUT,), dtype=jnp.float32)
    return {"x": x, "edge_index": edge_index, "W": W, "b": b, "gamma": gamma, "beta": beta}


def _gcn_layer(x, edge_index, W, b, gamma, beta):
    n = x.shape[0]
    src = edge_index[0]
    dst = edge_index[1]
    # add self loops (PyG GCNConv default add_self_loops=True)
    loop = jnp.arange(n, dtype=src.dtype)
    src = jnp.concatenate([src, loop])
    dst = jnp.concatenate([dst, loop])
    # symmetric normalization: deg computed on destination (col) with unit edge weights
    deg = jnp.zeros((n,), dtype=x.dtype).at[dst].add(1.0)
    deg_inv_sqrt = jnp.where(deg > 0, jax.lax.rsqrt(deg), 0.0)
    norm = deg_inv_sqrt[src] * deg_inv_sqrt[dst]
    # linear transform, then gather + scatter-add aggregation
    xw = x @ W
    msg = jnp.take(xw, src, axis=0) * norm[:, None]
    out = jnp.zeros((n, W.shape[1]), dtype=x.dtype).at[dst].add(msg)
    out = out + b
    # LayerNorm
    mean = jnp.mean(out, axis=-1, keepdims=True)
    var = jnp.mean((out - mean) ** 2, axis=-1, keepdims=True)
    out = (out - mean) * jax.lax.rsqrt(var + LN_EPS) * gamma + beta
    # ReLU (dropout is identity in eval mode)
    return jax.nn.relu(out)


def reference(x, edge_index, W, b, gamma, beta):
    return _gcn_layer(x, edge_index, W, b, gamma, beta)

if __name__ == "__main__":
    import jax
    _d = setup_inputs()
    print(jax.jit(kernel)(*tuple(_d.values())))

</pallas_src>

<mosaic_0001>
#map = affine_map<(d0, d1) -> (0, 0, 0)>
#map1 = affine_map<(d0, d1) -> (0, 0)>
module attributes {stable_mosaic.version = 14 : i64} {
  func.func @_hist_call(%arg0: i32, %arg1: i32, %arg2: memref<32x80x128xi32, #tpu.memory_space<hbm>>, %arg3: memref<2x10240xf32, #tpu.memory_space<hbm>>, %arg4: memref<80x128xi32, #tpu.memory_space<vmem>>, %arg5: memref<10240xf32, #tpu.memory_space<vmem>>, %arg6: memref<16x640xf32, #tpu.memory_space<vmem>>, %arg7: memref<640xf32, #tpu.memory_space<vmem>>, %arg8: memref<16x10240xf32, #tpu.memory_space<vmem_shared>>, %arg9: memref<!tpu.dma_semaphore, #tpu.memory_space<semaphore_mem>>) attributes {dimension_semantics = [#tpu.dimension_semantics<core_parallel>, #tpu.dimension_semantics<subcore_parallel>], iteration_bounds = array<i64: 2, 16>, scalar_prefetch = 0 : i64, scratch_operands = 6 : i64, tpu.core_type = #tpu.core_type<sc_vector_subcore>, window_params = [{transform_indices = #map}, {transform_indices = #map1}]} {
    %mul3A = arith.constant 16 : i32
    %mul3A_0 = arith.muli %arg0, %mul3A : i32
    %add3A = arith.addi %mul3A_0, %arg1 : i32
    "tpu.region"() ({
      %run_scoped3A = tpu.sem_alloc : memref<!tpu.dma_semaphore, #tpu.memory_space<semaphore_mem>>
      %dma_start3A = arith.constant 0 : i32
      %dma_start3A_23 = arith.constant 0 : i32
      %dma_start3A_24 = tpu.memref_slice %arg2[%add3A, %dma_start3A, %dma_start3A_23] : memref<32x80x128xi32, #tpu.memory_space<hbm>> -> memref<1x80x128xi32, #tpu.memory_space<hbm>>
      %dma_start3A_25 = tpu.memref_squeeze %dma_start3A_24 : memref<1x80x128xi32, #tpu.memory_space<hbm>> -> memref<80x128xi32, #tpu.memory_space<hbm>>
      %dma_start3A_26 = arith.constant 0 : i32
      %dma_start3A_27 = arith.constant 0 : i32
      %dma_start3A_28 = tpu.memref_slice %arg2[%add3A, %dma_start3A_26, %dma_start3A_27] : memref<32x80x128xi32, #tpu.memory_space<hbm>> -> memref<1x80x128xi32, #tpu.memory_space<hbm>>
      %dma_start3A_29 = tpu.memref_squeeze %dma_start3A_28 : memref<1x80x128xi32, #tpu.memory_space<hbm>> -> memref<80x128xi32, #tpu.memory_space<hbm>>
      tpu.enqueue_dma source(%dma_start3A_29 : memref<80x128xi32, #tpu.memory_space<hbm>>) target(%arg4 : memref<80x128xi32, #tpu.memory_space<vmem>>) target_semaphore(%run_scoped3A : memref<!tpu.dma_semaphore, #tpu.memory_space<semaphore_mem>>)
      %dma_wait3A = arith.constant 0 : i32
      %dma_wait3A_30 = arith.constant 0 : i32
      %dma_wait3A_31 = tpu.memref_slice %arg2[%add3A, %dma_wait3A, %dma_wait3A_30] : memref<32x80x128xi32, #tpu.memory_space<hbm>> -> memref<1x80x128xi32, #tpu.memory_space<hbm>>
      %dma_wait3A_32 = tpu.memref_squeeze %dma_wait3A_31 : memref<1x80x128xi32, #tpu.memory_space<hbm>> -> memref<80x128xi32, #tpu.memory_space<hbm>>
      %dma_wait3A_33 = arith.constant 0 : i32
      %dma_wait3A_34 = arith.constant 0 : i32
      %dma_wait3A_35 = tpu.memref_slice %arg2[%add3A, %dma_wait3A_33, %dma_wait3A_34] : memref<32x80x128xi32, #tpu.memory_space<hbm>> -> memref<1x80x128xi32, #tpu.memory_space<hbm>>
      %dma_wait3A_36 = tpu.memref_squeeze %dma_wait3A_35 : memref<1x80x128xi32, #tpu.memory_space<hbm>> -> memref<80x128xi32, #tpu.memory_space<hbm>>
      tpu.wait_dma2 semaphore(%run_scoped3A : memref<!tpu.dma_semaphore, #tpu.memory_space<semaphore_mem>>) src(%dma_wait3A_36 : memref<80x128xi32, #tpu.memory_space<hbm>>) dst(%arg4 : memref<80x128xi32, #tpu.memory_space<vmem>>)
      tpu.yield
    }) : () -> ()
    %broadcast_in_dim3A = arith.constant 0.000000e+00 : f32
    %broadcast_in_dim3A_1 = vector.broadcast %broadcast_in_dim3A : f32 to vector<16xf32>
    %scan3A = arith.constant 0 : i32
    %scan3A_2 = arith.constant 0 : i32
    %scan3A_3 = arith.constant 640 : i32
    %scan3A_4 = arith.addi %scan3A_2, %scan3A_3 : i32
    %scan3A_5 = arith.constant 1 : i32
    scf.for %scan3A_23 = %scan3A_2 to %scan3A_4 step %scan3A_5  : i32 {
      %mul3A_24 = arith.constant 16 : i32
      %mul3A_25 = arith.muli %scan3A_23, %mul3A_24 : i32
      %swap3A = arith.index_cast %mul3A_25 : i32 to index
      %swap3A_26 = tpu.vector_load %arg5[%swap3A] {strides = array<i32>} : memref<10240xf32, #tpu.memory_space<vmem>>, vector<16xf32>,
      tpu.vector_store %arg5[%swap3A], %broadcast_in_dim3A_1 {strides = array<i32>} : memref<10240xf32, #tpu.memory_space<vmem>>, vector<16xf32>,
    }
    %scan3A_6 = arith.constant 640 : i32
    %broadcast_in_dim3A_7 = arith.constant 1.000000e+00 : f32
    %broadcast_in_dim3A_8 = vector.broadcast %broadcast_in_dim3A_7 : f32 to vector<16xf32>
    %scan3A_9 = arith.constant 0 : i32
    %scan3A_10 = arith.constant 0 : i32
    %scan3A_11 = arith.constant 80 : i32
    %scan3A_12 = arith.addi %scan3A_10, %scan3A_11 : i32
    %scan3A_13 = arith.constant 1 : i32
    scf.for %scan3A_23 = %scan3A_10 to %scan3A_12 step %scan3A_13  : i32 {
      %get3A = arith.index_cast %scan3A_23 : i32 to index
      %get3A_24 = arith.constant 0 : index
      %get3A_25 = tpu.vector_load %arg4[%get3A, %get3A_24] {strides = array<i32>} : memref<80x128xi32, #tpu.memory_space<vmem>>, vector<16xi32>,
      tpu.vector_store_idx %arg5[%get3A_25], %broadcast_in_dim3A_8 {add = true} : memref<10240xf32, #tpu.memory_space<vmem>>[vector<16xi32>], vector<16xf32>,
      %get3A_26 = arith.index_cast %scan3A_23 : i32 to index
      %get3A_27 = arith.constant 16 : index
      %get3A_28 = tpu.vector_load %arg4[%get3A_26, %get3A_27] {strides = array<i32>} : memref<80x128xi32, #tpu.memory_space<vmem>>, vector<16xi32>,
      tpu.vector_store_idx %arg5[%get3A_28], %broadcast_in_dim3A_8 {add = true} : memref<10240xf32, #tpu.memory_space<vmem>>[vector<16xi32>], vector<16xf32>,
      %get3A_29 = arith.index_cast %scan3A_23 : i32 to index
      %get3A_30 = arith.constant 32 : index
      %get3A_31 = tpu.vector_load %arg4[%get3A_29, %get3A_30] {strides = array<i32>} : memref<80x128xi32, #tpu.memory_space<vmem>>, vector<16xi32>,
      tpu.vector_store_idx %arg5[%get3A_31], %broadcast_in_dim3A_8 {add = true} : memref<10240xf32, #tpu.memory_space<vmem>>[vector<16xi32>], vector<16xf32>,
      %get3A_32 = arith.index_cast %scan3A_23 : i32 to index
      %get3A_33 = arith.constant 48 : index
      %get3A_34 = tpu.vector_load %arg4[%get3A_32, %get3A_33] {strides = array<i32>} : memref<80x128xi32, #tpu.memory_space<vmem>>, vector<16xi32>,
      tpu.vector_store_idx %arg5[%get3A_34], %broadcast_in_dim3A_8 {add = true} : memref<10240xf32, #tpu.memory_space<vmem>>[vector<16xi32>], vector<16xf32>,
      %get3A_35 = arith.index_cast %scan3A_23 : i32 to index
      %get3A_36 = arith.constant 64 : index
      %get3A_37 = tpu.vector_load %arg4[%get3A_35, %get3A_36] {strides = array<i32>} : memref<80x128xi32, #tpu.memory_space<vmem>>, vector<16xi32>,
      tpu.vector_store_idx %arg5[%get3A_37], %broadcast_in_dim3A_8 {add = true} : memref<10240xf32, #tpu.memory_space<vmem>>[vector<16xi32>], vector<16xf32>,
      %get3A_38 = arith.index_cast %scan3A_23 : i32 to index
      %get3A_39 = arith.constant 80 : index
      %get3A_40 = tpu.vector_load %arg4[%get3A_38, %get3A_39] {strides = array<i32>} : memref<80x128xi32, #tpu.memory_space<vmem>>, vector<16xi32>,
      tpu.vector_store_idx %arg5[%get3A_40], %broadcast_in_dim3A_8 {add = true} : memref<10240xf32, #tpu.memory_space<vmem>>[vector<16xi32>], vector<16xf32>,
      %get3A_41 = arith.index_cast %scan3A_23 : i32 to index
      %get3A_42 = arith.constant 96 : index
      %get3A_43 = tpu.vector_load %arg4[%get3A_41, %get3A_42] {strides = array<i32>} : memref<80x128xi32, #tpu.memory_space<vmem>>, vector<16xi32>,
      tpu.vector_store_idx %arg5[%get3A_43], %broadcast_in_dim3A_8 {add = true} : memref<10240xf32, #tpu.memory_space<vmem>>[vector<16xi32>], vector<16xf32>,
      %get3A_44 = arith.index_cast %scan3A_23 : i32 to index
      %get3A_45 = arith.constant 112 : index
      %get3A_46 = tpu.vector_load %arg4[%get3A_44, %get3A_45] {strides = array<i32>} : memref<80x128xi32, #tpu.memory_space<vmem>>, vector<16xi32>,
      tpu.vector_store_idx %arg5[%get3A_46], %broadcast_in_dim3A_8 {add = true} : memref<10240xf32, #tpu.memory_space<vmem>>[vector<16xi32>], vector<16xf32>,
    }
    %scan3A_14 = arith.constant 80 : i32
    "tpu.region"() ({
      %run_scoped3A = tpu.sem_alloc : memref<!tpu.dma_semaphore, #tpu.memory_space<semaphore_mem>>
      %dma_start3A = arith.constant 0 : i32
      %dma_start3A_23 = tpu.memref_slice %arg8[%arg1, %dma_start3A] : memref<16x10240xf32, #tpu.memory_space<vmem_shared>> -> memref<1x10240xf32, #tpu.memory_space<vmem_shared>>
      %dma_start3A_24 = tpu.memref_squeeze %dma_start3A_23 : memref<1x10240xf32, #tpu.memory_space<vmem_shared>> -> memref<10240xf32, #tpu.memory_space<vmem_shared>>
      %dma_start3A_25 = arith.constant 0 : i32
      %dma_start3A_26 = tpu.memref_slice %arg8[%arg1, %dma_start3A_25] : memref<16x10240xf32, #tpu.memory_space<vmem_shared>> -> memref<1x10240xf32, #tpu.memory_space<vmem_shared>>
      %dma_start3A_27 = tpu.memref_squeeze %dma_start3A_26 : memref<1x10240xf32, #tpu.memory_space<vmem_shared>> -> memref<10240xf32, #tpu.memory_space<vmem_shared>>
      tpu.enqueue_dma source(%arg5 : memref<10240xf32, #tpu.memory_space<vmem>>) target(%dma_start3A_27 : memref<10240xf32, #tpu.memory_space<vmem_shared>>) target_semaphore(%run_scoped3A : memref<!tpu.dma_semaphore, #tpu.memory_space<semaphore_mem>>)
      %dma_wait3A = arith.constant 0 : i32
      %dma_wait3A_28 = tpu.memref_slice %arg8[%arg1, %dma_wait3A] : memref<16x10240xf32, #tpu.memory_space<vmem_shared>> -> memref<1x10240xf32, #tpu.memory_space<vmem_shared>>
      %dma_wait3A_29 = tpu.memref_squeeze %dma_wait3A_28 : memref<1x10240xf32, #tpu.memory_space<vmem_shared>> -> memref<10240xf32, #tpu.memory_space<vmem_shared>>
      %dma_wait3A_30 = arith.constant 0 : i32
      %dma_wait3A_31 = tpu.memref_slice %arg8[%arg1, %dma_wait3A_30] : memref<16x10240xf32, #tpu.memory_space<vmem_shared>> -> memref<1x10240xf32, #tpu.memory_space<vmem_shared>>
      %dma_wait3A_32 = tpu.memref_squeeze %dma_wait3A_31 : memref<1x10240xf32, #tpu.memory_space<vmem_shared>> -> memref<10240xf32, #tpu.memory_space<vmem_shared>>
      tpu.wait_dma2 semaphore(%run_scoped3A : memref<!tpu.dma_semaphore, #tpu.memory_space<semaphore_mem>>) src(%arg5 : memref<10240xf32, #tpu.memory_space<vmem>>) dst(%dma_wait3A_32 : memref<10240xf32, #tpu.memory_space<vmem_shared>>)
      tpu.yield
    }) : () -> ()
    %barrier3A = arith.constant 0 : index
    tpu.barrier barrier_id(%barrier3A)
    %mul3A_15 = arith.constant 640 : i32
    %mul3A_16 = arith.muli %arg1, %mul3A_15 : i32
    "tpu.region"() ({
      %run_scoped3A = tpu.sem_alloc : memref<!tpu.dma_semaphore, #tpu.memory_space<semaphore_mem>>
      %dma_start3A = arith.constant 0 : i32
      %dma_start3A_23 = tpu.memref_slice %arg8[%dma_start3A, %mul3A_16] : memref<16x10240xf32, #tpu.memory_space<vmem_shared>> -> memref<16x640xf32, #tpu.memory_space<vmem_shared>>
      %dma_start3A_24 = arith.constant 0 : i32
      %dma_start3A_25 = tpu.memref_slice %arg8[%dma_start3A_24, %mul3A_16] : memref<16x10240xf32, #tpu.memory_space<vmem_shared>> -> memref<16x640xf32, #tpu.memory_space<vmem_shared>>
      tpu.enqueue_dma source(%dma_start3A_25 : memref<16x640xf32, #tpu.memory_space<vmem_shared>>) target(%arg6 : memref<16x640xf32, #tpu.memory_space<vmem>>) target_semaphore(%run_scoped3A : memref<!tpu.dma_semaphore, #tpu.memory_space<semaphore_mem>>)
      %dma_wait3A = arith.constant 0 : i32
      %dma_wait3A_26 = tpu.memref_slice %arg8[%dma_wait3A, %mul3A_16] : memref<16x10240xf32, #tpu.memory_space<vmem_shared>> -> memref<16x640xf32, #tpu.memory_space<vmem_shared>>
      %dma_wait3A_27 = arith.constant 0 : i32
      %dma_wait3A_28 = tpu.memref_slice %arg8[%dma_wait3A_27, %mul3A_16] : memref<16x10240xf32, #tpu.memory_space<vmem_shared>> -> memref<16x640xf32, #tpu.memory_space<vmem_shared>>
      tpu.wait_dma2 semaphore(%run_scoped3A : memref<!tpu.dma_semaphore, #tpu.memory_space<semaphore_mem>>) src(%dma_wait3A_28 : memref<16x640xf32, #tpu.memory_space<vmem_shared>>) dst(%arg6 : memref<16x640xf32, #tpu.memory_space<vmem>>)
      tpu.yield
    }) : () -> ()
    %scan3A_17 = arith.constant 0 : i32
    %scan3A_18 = arith.constant 0 : i32
    %scan3A_19 = arith.constant 40 : i32
    %scan3A_20 = arith.addi %scan3A_18, %scan3A_19 : i32
    %scan3A_21 = arith.constant 1 : i32
    scf.for %scan3A_23 = %scan3A_18 to %scan3A_20 step %scan3A_21  : i32 {
      %mul3A_24 = arith.constant 16 : i32
      %mul3A_25 = arith.muli %scan3A_23, %mul3A_24 : i32
      %get3A = arith.constant 0 : i32
      %get3A_26 = arith.index_cast %get3A : i32 to index
      %get3A_27 = arith.index_cast %mul3A_25 : i32 to index
      %get3A_28 = tpu.vector_load %arg6[%get3A_26, %get3A_27] {strides = array<i32>} : memref<16x640xf32, #tpu.memory_space<vmem>>, vector<16xf32>,
      %mul3A_29 = arith.constant 16 : i32
      %mul3A_30 = arith.muli %scan3A_23, %mul3A_29 : i32
      %get3A_31 = arith.constant 1 : i32
      %get3A_32 = arith.index_cast %get3A_31 : i32 to index
      %get3A_33 = arith.index_cast %mul3A_30 : i32 to index
      %get3A_34 = tpu.vector_load %arg6[%get3A_32, %get3A_33] {strides = array<i32>} : memref<16x640xf32, #tpu.memory_space<vmem>>, vector<16xf32>,
      %add3A_35 = arith.addf %get3A_28, %get3A_34 : vector<16xf32>
      %mul3A_36 = arith.constant 16 : i32
      %mul3A_37 = arith.muli %scan3A_23, %mul3A_36 : i32
      %get3A_38 = arith.constant 2 : i32
      %get3A_39 = arith.index_cast %get3A_38 : i32 to index
      %get3A_40 = arith.index_cast %mul3A_37 : i32 to index
      %get3A_41 = tpu.vector_load %arg6[%get3A_39, %get3A_40] {strides = array<i32>} : memref<16x640xf32, #tpu.memory_space<vmem>>, vector<16xf32>,
      %add3A_42 = arith.addf %add3A_35, %get3A_41 : vector<16xf32>
      %mul3A_43 = arith.constant 16 : i32
      %mul3A_44 = arith.muli %scan3A_23, %mul3A_43 : i32
      %get3A_45 = arith.constant 3 : i32
      %get3A_46 = arith.index_cast %get3A_45 : i32 to index
      %get3A_47 = arith.index_cast %mul3A_44 : i32 to index
      %get3A_48 = tpu.vector_load %arg6[%get3A_46, %get3A_47] {strides = array<i32>} : memref<16x640xf32, #tpu.memory_space<vmem>>, vector<16xf32>,
      %add3A_49 = arith.addf %add3A_42, %get3A_48 : vector<16xf32>
      %mul3A_50 = arith.constant 16 : i32
      %mul3A_51 = arith.muli %scan3A_23, %mul3A_50 : i32
      %get3A_52 = arith.constant 4 : i32
      %get3A_53 = arith.index_cast %get3A_52 : i32 to index
      %get3A_54 = arith.index_cast %mul3A_51 : i32 to index
      %get3A_55 = tpu.vector_load %arg6[%get3A_53, %get3A_54] {strides = array<i32>} : memref<16x640xf32, #tpu.memory_space<vmem>>, vector<16xf32>,
      %add3A_56 = arith.addf %add3A_49, %get3A_55 : vector<16xf32>
      %mul3A_57 = arith.constant 16 : i32
      %mul3A_58 = arith.muli %scan3A_23, %mul3A_57 : i32
      %get3A_59 = arith.constant 5 : i32
      %get3A_60 = arith.index_cast %get3A_59 : i32 to index
      %get3A_61 = arith.index_cast %mul3A_58 : i32 to index
      %get3A_62 = tpu.vector_load %arg6[%get3A_60, %get3A_61] {strides = array<i32>} : memref<16x640xf32, #tpu.memory_space<vmem>>, vector<16xf32>,
      %add3A_63 = arith.addf %add3A_56, %get3A_62 : vector<16xf32>
      %mul3A_64 = arith.constant 16 : i32
      %mul3A_65 = arith.muli %scan3A_23, %mul3A_64 : i32
      %get3A_66 = arith.constant 6 : i32
      %get3A_67 = arith.index_cast %get3A_66 : i32 to index
      %get3A_68 = arith.index_cast %mul3A_65 : i32 to index
      %get3A_69 = tpu.vector_load %arg6[%get3A_67, %get3A_68] {strides = array<i32>} : memref<16x640xf32, #tpu.memory_space<vmem>>, vector<16xf32>,
      %add3A_70 = arith.addf %add3A_63, %get3A_69 : vector<16xf32>
      %mul3A_71 = arith.constant 16 : i32
      %mul3A_72 = arith.muli %scan3A_23, %mul3A_71 : i32
      %get3A_73 = arith.constant 7 : i32
      %get3A_74 = arith.index_cast %get3A_73 : i32 to index
      %get3A_75 = arith.index_cast %mul3A_72 : i32 to index
      %get3A_76 = tpu.vector_load %arg6[%get3A_74, %get3A_75] {strides = array<i32>} : memref<16x640xf32, #tpu.memory_space<vmem>>, vector<16xf32>,
      %add3A_77 = arith.addf %add3A_70, %get3A_76 : vector<16xf32>
      %mul3A_78 = arith.constant 16 : i32
      %mul3A_79 = arith.muli %scan3A_23, %mul3A_78 : i32
      %get3A_80 = arith.constant 8 : i32
      %get3A_81 = arith.index_cast %get3A_80 : i32 to index
      %get3A_82 = arith.index_cast %mul3A_79 : i32 to index
      %get3A_83 = tpu.vector_load %arg6[%get3A_81, %get3A_82] {strides = array<i32>} : memref<16x640xf32, #tpu.memory_space<vmem>>, vector<16xf32>,
      %add3A_84 = arith.addf %add3A_77, %get3A_83 : vector<16xf32>
      %mul3A_85 = arith.constant 16 : i32
      %mul3A_86 = arith.muli %scan3A_23, %mul3A_85 : i32
      %get3A_87 = arith.constant 9 : i32
      %get3A_88 = arith.index_cast %get3A_87 : i32 to index
      %get3A_89 = arith.index_cast %mul3A_86 : i32 to index
      %get3A_90 = tpu.vector_load %arg6[%get3A_88, %get3A_89] {strides = array<i32>} : memref<16x640xf32, #tpu.memory_space<vmem>>, vector<16xf32>,
      %add3A_91 = arith.addf %add3A_84, %get3A_90 : vector<16xf32>
      %mul3A_92 = arith.constant 16 : i32
      %mul3A_93 = arith.muli %scan3A_23, %mul3A_92 : i32
      %get3A_94 = arith.constant 10 : i32
      %get3A_95 = arith.index_cast %get3A_94 : i32 to index
      %get3A_96 = arith.index_cast %mul3A_93 : i32 to index
      %get3A_97 = tpu.vector_load %arg6[%get3A_95, %get3A_96] {strides = array<i32>} : memref<16x640xf32, #tpu.memory_space<vmem>>, vector<16xf32>,
      %add3A_98 = arith.addf %add3A_91, %get3A_97 : vector<16xf32>
      %mul3A_99 = arith.constant 16 : i32
      %mul3A_100 = arith.muli %scan3A_23, %mul3A_99 : i32
      %get3A_101 = arith.constant 11 : i32
      %get3A_102 = arith.index_cast %get3A_101 : i32 to index
      %get3A_103 = arith.index_cast %mul3A_100 : i32 to index
      %get3A_104 = tpu.vector_load %arg6[%get3A_102, %get3A_103] {strides = array<i32>} : memref<16x640xf32, #tpu.memory_space<vmem>>, vector<16xf32>,
      %add3A_105 = arith.addf %add3A_98, %get3A_104 : vector<16xf32>
      %mul3A_106 = arith.constant 16 : i32
      %mul3A_107 = arith.muli %scan3A_23, %mul3A_106 : i32
      %get3A_108 = arith.constant 12 : i32
      %get3A_109 = arith.index_cast %get3A_108 : i32 to index
      %get3A_110 = arith.index_cast %mul3A_107 : i32 to index
      %get3A_111 = tpu.vector_load %arg6[%get3A_109, %get3A_110] {strides = array<i32>} : memref<16x640xf32, #tpu.memory_space<vmem>>, vector<16xf32>,
      %add3A_112 = arith.addf %add3A_105, %get3A_111 : vector<16xf32>
      %mul3A_113 = arith.constant 16 : i32
      %mul3A_114 = arith.muli %scan3A_23, %mul3A_113 : i32
      %get3A_115 = arith.constant 13 : i32
      %get3A_116 = arith.index_cast %get3A_115 : i32 to index
      %get3A_117 = arith.index_cast %mul3A_114 : i32 to index
      %get3A_118 = tpu.vector_load %arg6[%get3A_116, %get3A_117] {strides = array<i32>} : memref<16x640xf32, #tpu.memory_space<vmem>>, vector<16xf32>,
      %add3A_119 = arith.addf %add3A_112, %get3A_118 : vector<16xf32>
      %mul3A_120 = arith.constant 16 : i32
      %mul3A_121 = arith.muli %scan3A_23, %mul3A_120 : i32
      %get3A_122 = arith.constant 14 : i32
      %get3A_123 = arith.index_cast %get3A_122 : i32 to index
      %get3A_124 = arith.index_cast %mul3A_121 : i32 to index
      %get3A_125 = tpu.vector_load %arg6[%get3A_123, %get3A_124] {strides = array<i32>} : memref<16x640xf32, #tpu.memory_space<vmem>>, vector<16xf32>,
      %add3A_126 = arith.addf %add3A_119, %get3A_125 : vector<16xf32>
      %mul3A_127 = arith.constant 16 : i32
      %mul3A_128 = arith.muli %scan3A_23, %mul3A_127 : i32
      %get3A_129 = arith.constant 15 : i32
      %get3A_130 = arith.index_cast %get3A_129 : i32 to index
      %get3A_131 = arith.index_cast %mul3A_128 : i32 to index
      %get3A_132 = tpu.vector_load %arg6[%get3A_130, %get3A_131] {strides = array<i32>} : memref<16x640xf32, #tpu.memory_space<vmem>>, vector<16xf32>,
      %add3A_133 = arith.addf %add3A_126, %get3A_132 : vector<16xf32>
      %mul3A_134 = arith.constant 16 : i32
      %mul3A_135 = arith.muli %scan3A_23, %mul3A_134 : i32
      %swap3A = arith.index_cast %mul3A_135 : i32 to index
      %swap3A_136 = tpu.vector_load %arg7[%swap3A] {strides = array<i32>} : memref<640xf32, #tpu.memory_space<vmem>>, vector<16xf32>,
      tpu.vector_store %arg7[%swap3A], %add3A_133 {strides = array<i32>} : memref<640xf32, #tpu.memory_space<vmem>>, vector<16xf32>,
    }
    %scan3A_22 = arith.constant 40 : i32
    "tpu.region"() ({
      %run_scoped3A = tpu.sem_alloc : memref<!tpu.dma_semaphore, #tpu.memory_space<semaphore_mem>>
      %dma_start3A = arith.constant 0 : i32
      %dma_start3A_23 = tpu.memref_slice %arg3[%arg0, %dma_start3A] : memref<2x10240xf32, #tpu.memory_space<hbm>> -> memref<1x10240xf32, #tpu.memory_space<hbm>>
      %dma_start3A_24 = tpu.memref_squeeze %dma_start3A_23 : memref<1x10240xf32, #tpu.memory_space<hbm>> -> memref<10240xf32, #tpu.memory_space<hbm>>
      %dma_start3A_25 = tpu.memref_slice %dma_start3A_24[%mul3A_16] : memref<10240xf32, #tpu.memory_space<hbm>> -> memref<640xf32, #tpu.memory_space<hbm>>
      %dma_start3A_26 = arith.constant 0 : i32
      %dma_start3A_27 = tpu.memref_slice %arg3[%arg0, %dma_start3A_26] : memref<2x10240xf32, #tpu.memory_space<hbm>> -> memref<1x10240xf32, #tpu.memory_space<hbm>>
      %dma_start3A_28 = tpu.memref_squeeze %dma_start3A_27 : memref<1x10240xf32, #tpu.memory_space<hbm>> -> memref<10240xf32, #tpu.memory_space<hbm>>
      %dma_start3A_29 = tpu.memref_slice %dma_start3A_28[%mul3A_16] : memref<10240xf32, #tpu.memory_space<hbm>> -> memref<640xf32, #tpu.memory_space<hbm>>
      tpu.enqueue_dma source(%arg7 : memref<640xf32, #tpu.memory_space<vmem>>) target(%dma_start3A_29 : memref<640xf32, #tpu.memory_space<hbm>>) target_semaphore(%run_scoped3A : memref<!tpu.dma_semaphore, #tpu.memory_space<semaphore_mem>>)
      %dma_wait3A = arith.constant 0 : i32
      %dma_wait3A_30 = tpu.memref_slice %arg3[%arg0, %dma_wait3A] : memref<2x10240xf32, #tpu.memory_space<hbm>> -> memref<1x10240xf32, #tpu.memory_space<hbm>>
      %dma_wait3A_31 = tpu.memref_squeeze %dma_wait3A_30 : memref<1x10240xf32, #tpu.memory_space<hbm>> -> memref<10240xf32, #tpu.memory_space<hbm>>
      %dma_wait3A_32 = tpu.memref_slice %dma_wait3A_31[%mul3A_16] : memref<10240xf32, #tpu.memory_space<hbm>> -> memref<640xf32, #tpu.memory_space<hbm>>
      %dma_wait3A_33 = arith.constant 0 : i32
      %dma_wait3A_34 = tpu.memref_slice %arg3[%arg0, %dma_wait3A_33] : memref<2x10240xf32, #tpu.memory_space<hbm>> -> memref<1x10240xf32, #tpu.memory_space<hbm>>
      %dma_wait3A_35 = tpu.memref_squeeze %dma_wait3A_34 : memref<1x10240xf32, #tpu.memory_space<hbm>> -> memref<10240xf32, #tpu.memory_space<hbm>>
      %dma_wait3A_36 = tpu.memref_slice %dma_wait3A_35[%mul3A_16] : memref<10240xf32, #tpu.memory_space<hbm>> -> memref<640xf32, #tpu.memory_space<hbm>>
      tpu.wait_dma2 semaphore(%run_scoped3A : memref<!tpu.dma_semaphore, #tpu.memory_space<semaphore_mem>>) src(%arg7 : memref<640xf32, #tpu.memory_space<vmem>>) dst(%dma_wait3A_36 : memref<640xf32, #tpu.memory_space<hbm>>)
      tpu.yield
    }) : () -> ()
    return
  }
}

#map = affine_map<(d0, d1) -> (0, 0, 0)>
#map1 = affine_map<(d0, d1) -> (0, 0)>
module attributes {stable_mosaic.version = 14 : i64} {
  func.func @_agg_call(%arg0: i32, %arg1: i32, %arg2: memref<32x80x128xi32, #tpu.memory_space<hbm>>, %arg3: memref<32x80x128xi32, #tpu.memory_space<hbm>>, %arg4: memref<10000x128xf32, #tpu.memory_space<hbm>>, %arg5: memref<128x128xf32, #tpu.memory_space<hbm>>, %arg6: memref<2x10240x128xf32, #tpu.memory_space<hbm>>, %arg7: memref<8x128xi32, #tpu.memory_space<vmem>>, %arg8: memref<8x128xi32, #tpu.memory_space<vmem>>, %arg9: memref<128x128xf32, #tpu.memory_space<vmem>>, %arg10: memref<128x128xf32, #tpu.memory_space<vmem>>, %arg11: memref<10240x128xf32, #tpu.memory_space<vmem_shared>>, %arg12: memref<!tpu.dma_semaphore, #tpu.memory_space<semaphore_mem>>, %arg13: memref<!tpu.dma_semaphore, #tpu.memory_space<semaphore_mem>>) attributes {dimension_semantics = [#tpu.dimension_semantics<core_parallel>, #tpu.dimension_semantics<subcore_parallel>], iteration_bounds = array<i64: 2, 16>, scalar_prefetch = 0 : i64, scratch_operands = 7 : i64, tpu.core_type = #tpu.core_type<sc_vector_subcore>, window_params = [{transform_indices = #map}, {transform_indices = #map}, {transform_indices = #map1}, {transform_indices = #map1}, {transform_indices = #map}]} {
    %mul3A = arith.constant 16 : i32
    %mul3A_0 = arith.muli %arg0, %mul3A : i32
    %add3A = arith.addi %mul3A_0, %arg1 : i32
    "tpu.region"() ({
      %run_scoped3A = tpu.sem_alloc : memref<!tpu.dma_semaphore, #tpu.memory_space<semaphore_mem>>
      tpu.enqueue_dma source(%arg5 : memref<128x128xf32, #tpu.memory_space<hbm>>) target(%arg9 : memref<128x128xf32, #tpu.memory_space<vmem>>) target_semaphore(%run_scoped3A : memref<!tpu.dma_semaphore, #tpu.memory_space<semaphore_mem>>)
      tpu.wait_dma2 semaphore(%run_scoped3A : memref<!tpu.dma_semaphore, #tpu.memory_space<semaphore_mem>>) src(%arg5 : memref<128x128xf32, #tpu.memory_space<hbm>>) dst(%arg9 : memref<128x128xf32, #tpu.memory_space<vmem>>)
      tpu.yield
    }) : () -> ()
    %mul3A_1 = arith.constant 640 : i32
    %mul3A_2 = arith.muli %arg1, %mul3A_1 : i32
    %add3A_3 = arith.constant 0 : i32
    %add3A_4 = arith.addi %mul3A_2, %add3A_3 : i32
    "tpu.region"() ({
      %run_scoped3A = tpu.sem_alloc : memref<!tpu.dma_semaphore, #tpu.memory_space<semaphore_mem>>
      %dma_start3A = arith.constant 0 : i32
      %dma_start3A_39 = arith.constant 0 : i32
      %dma_start3A_40 = tpu.memref_slice %arg9[%dma_start3A, %dma_start3A_39] : memref<128x128xf32, #tpu.memory_space<vmem>> -> memref<128x128xf32, #tpu.memory_space<vmem>>
      %dma_start3A_41 = arith.constant 0 : i32
      %dma_start3A_42 = tpu.memref_slice %arg11[%add3A_4, %dma_start3A_41] : memref<10240x128xf32, #tpu.memory_space<vmem_shared>> -> memref<128x128xf32, #tpu.memory_space<vmem_shared>>
      %dma_start3A_43 = arith.constant 0 : i32
      %dma_start3A_44 = tpu.memref_slice %arg11[%add3A_4, %dma_start3A_43] : memref<10240x128xf32, #tpu.memory_space<vmem_shared>> -> memref<128x128xf32, #tpu.memory_space<vmem_shared>>
      %dma_start3A_45 = arith.constant 0 : i32
      %dma_start3A_46 = arith.constant 0 : i32
      %dma_start3A_47 = tpu.memref_slice %arg9[%dma_start3A_45, %dma_start3A_46] : memref<128x128xf32, #tpu.memory_space<vmem>> -> memref<128x128xf32, #tpu.memory_space<vmem>>
      tpu.enqueue_dma source(%dma_start3A_47 : memref<128x128xf32, #tpu.memory_space<vmem>>) target(%dma_start3A_44 : memref<128x128xf32, #tpu.memory_space<vmem_shared>>) target_semaphore(%run_scoped3A : memref<!tpu.dma_semaphore, #tpu.memory_space<semaphore_mem>>)
      %dma_wait3A = arith.constant 0 : i32
      %dma_wait3A_48 = arith.constant 0 : i32
      %dma_wait3A_49 = tpu.memref_slice %arg9[%dma_wait3A, %dma_wait3A_48] : memref<128x128xf32, #tpu.memory_space<vmem>> -> memref<128x128xf32, #tpu.memory_space<vmem>>
      %dma_wait3A_50 = arith.constant 0 : i32
      %dma_wait3A_51 = tpu.memref_slice %arg11[%add3A_4, %dma_wait3A_50] : memref<10240x128xf32, #tpu.memory_space<vmem_shared>> -> memref<128x128xf32, #tpu.memory_space<vmem_shared>>
      %dma_wait3A_52 = arith.constant 0 : i32
      %dma_wait3A_53 = tpu.memref_slice %arg11[%add3A_4, %dma_wait3A_52] : memref<10240x128xf32, #tpu.memory_space<vmem_shared>> -> memref<128x128xf32, #tpu.memory_space<vmem_shared>>
      %dma_wait3A_54 = arith.constant 0 : i32
      %dma_wait3A_55 = arith.constant 0 : i32
      %dma_wait3A_56 = tpu.memref_slice %arg9[%dma_wait3A_54, %dma_wait3A_55] : memref<128x128xf32, #tpu.memory_space<vmem>> -> memref<128x128xf32, #tpu.memory_space<vmem>>
      tpu.wait_dma2 semaphore(%run_scoped3A : memref<!tpu.dma_semaphore, #tpu.memory_space<semaphore_mem>>) src(%dma_wait3A_56 : memref<128x128xf32, #tpu.memory_space<vmem>>) dst(%dma_wait3A_53 : memref<128x128xf32, #tpu.memory_space<vmem_shared>>)
      tpu.yield
    }) : () -> ()
    %add3A_5 = arith.constant 128 : i32
    %add3A_6 = arith.addi %mul3A_2, %add3A_5 : i32
    "tpu.region"() ({
      %run_scoped3A = tpu.sem_alloc : memref<!tpu.dma_semaphore, #tpu.memory_space<semaphore_mem>>
      %dma_start3A = arith.constant 0 : i32
      %dma_start3A_39 = arith.constant 0 : i32
      %dma_start3A_40 = tpu.memref_slice %arg9[%dma_start3A, %dma_start3A_39] : memref<128x128xf32, #tpu.memory_space<vmem>> -> memref<128x128xf32, #tpu.memory_space<vmem>>
      %dma_start3A_41 = arith.constant 0 : i32
      %dma_start3A_42 = tpu.memref_slice %arg11[%add3A_6, %dma_start3A_41] : memref<10240x128xf32, #tpu.memory_space<vmem_shared>> -> memref<128x128xf32, #tpu.memory_space<vmem_shared>>
      %dma_start3A_43 = arith.constant 0 : i32
      %dma_start3A_44 = tpu.memref_slice %arg11[%add3A_6, %dma_start3A_43] : memref<10240x128xf32, #tpu.memory_space<vmem_shared>> -> memref<128x128xf32, #tpu.memory_space<vmem_shared>>
      %dma_start3A_45 = arith.constant 0 : i32
      %dma_start3A_46 = arith.constant 0 : i32
      %dma_start3A_47 = tpu.memref_slice %arg9[%dma_start3A_45, %dma_start3A_46] : memref<128x128xf32, #tpu.memory_space<vmem>> -> memref<128x128xf32, #tpu.memory_space<vmem>>
      tpu.enqueue_dma source(%dma_start3A_47 : memref<128x128xf32, #tpu.memory_space<vmem>>) target(%dma_start3A_44 : memref<128x128xf32, #tpu.memory_space<vmem_shared>>) target_semaphore(%run_scoped3A : memref<!tpu.dma_semaphore, #tpu.memory_space<semaphore_mem>>)
      %dma_wait3A = arith.constant 0 : i32
      %dma_wait3A_48 = arith.constant 0 : i32
      %dma_wait3A_49 = tpu.memref_slice %arg9[%dma_wait3A, %dma_wait3A_48] : memref<128x128xf32, #tpu.memory_space<vmem>> -> memref<128x128xf32, #tpu.memory_space<vmem>>
      %dma_wait3A_50 = arith.constant 0 : i32
      %dma_wait3A_51 = tpu.memref_slice %arg11[%add3A_6, %dma_wait3A_50] : memref<10240x128xf32, #tpu.memory_space<vmem_shared>> -> memref<128x128xf32, #tpu.memory_space<vmem_shared>>
      %dma_wait3A_52 = arith.constant 0 : i32
      %dma_wait3A_53 = tpu.memref_slice %arg11[%add3A_6, %dma_wait3A_52] : memref<10240x128xf32, #tpu.memory_space<vmem_shared>> -> memref<128x128xf32, #tpu.memory_space<vmem_shared>>
      %dma_wait3A_54 = arith.constant 0 : i32
      %dma_wait3A_55 = arith.constant 0 : i32
      %dma_wait3A_56 = tpu.memref_slice %arg9[%dma_wait3A_54, %dma_wait3A_55] : memref<128x128xf32, #tpu.memory_space<vmem>> -> memref<128x128xf32, #tpu.memory_space<vmem>>
      tpu.wait_dma2 semaphore(%run_scoped3A : memref<!tpu.dma_semaphore, #tpu.memory_space<semaphore_mem>>) src(%dma_wait3A_56 : memref<128x128xf32, #tpu.memory_space<vmem>>) dst(%dma_wait3A_53 : memref<128x128xf32, #tpu.memory_space<vmem_shared>>)
      tpu.yield
    }) : () -> ()
    %add3A_7 = arith.constant 256 : i32
    %add3A_8 = arith.addi %mul3A_2, %add3A_7 : i32
    "tpu.region"() ({
      %run_scoped3A = tpu.sem_alloc : memref<!tpu.dma_semaphore, #tpu.memory_space<semaphore_mem>>
      %dma_start3A = arith.constant 0 : i32
      %dma_start3A_39 = arith.constant 0 : i32
      %dma_start3A_40 = tpu.memref_slice %arg9[%dma_start3A, %dma_start3A_39] : memref<128x128xf32, #tpu.memory_space<vmem>> -> memref<128x128xf32, #tpu.memory_space<vmem>>
      %dma_start3A_41 = arith.constant 0 : i32
      %dma_start3A_42 = tpu.memref_slice %arg11[%add3A_8, %dma_start3A_41] : memref<10240x128xf32, #tpu.memory_space<vmem_shared>> -> memref<128x128xf32, #tpu.memory_space<vmem_shared>>
      %dma_start3A_43 = arith.constant 0 : i32
      %dma_start3A_44 = tpu.memref_slice %arg11[%add3A_8, %dma_start3A_43] : memref<10240x128xf32, #tpu.memory_space<vmem_shared>> -> memref<128x128xf32, #tpu.memory_space<vmem_shared>>
      %dma_start3A_45 = arith.constant 0 : i32
      %dma_start3A_46 = arith.constant 0 : i32
      %dma_start3A_47 = tpu.memref_slice %arg9[%dma_start3A_45, %dma_start3A_46] : memref<128x128xf32, #tpu.memory_space<vmem>> -> memref<128x128xf32, #tpu.memory_space<vmem>>
      tpu.enqueue_dma source(%dma_start3A_47 : memref<128x128xf32, #tpu.memory_space<vmem>>) target(%dma_start3A_44 : memref<128x128xf32, #tpu.memory_space<vmem_shared>>) target_semaphore(%run_scoped3A : memref<!tpu.dma_semaphore, #tpu.memory_space<semaphore_mem>>)
      %dma_wait3A = arith.constant 0 : i32
      %dma_wait3A_48 = arith.constant 0 : i32
      %dma_wait3A_49 = tpu.memref_slice %arg9[%dma_wait3A, %dma_wait3A_48] : memref<128x128xf32, #tpu.memory_space<vmem>> -> memref<128x128xf32, #tpu.memory_space<vmem>>
      %dma_wait3A_50 = arith.constant 0 : i32
      %dma_wait3A_51 = tpu.memref_slice %arg11[%add3A_8, %dma_wait3A_50] : memref<10240x128xf32, #tpu.memory_space<vmem_shared>> -> memref<128x128xf32, #tpu.memory_space<vmem_shared>>
      %dma_wait3A_52 = arith.constant 0 : i32
      %dma_wait3A_53 = tpu.memref_slice %arg11[%add3A_8, %dma_wait3A_52] : memref<10240x128xf32, #tpu.memory_space<vmem_shared>> -> memref<128x128xf32, #tpu.memory_space<vmem_shared>>
      %dma_wait3A_54 = arith.constant 0 : i32
      %dma_wait3A_55 = arith.constant 0 : i32
      %dma_wait3A_56 = tpu.memref_slice %arg9[%dma_wait3A_54, %dma_wait3A_55] : memref<128x128xf32, #tpu.memory_space<vmem>> -> memref<128x128xf32, #tpu.memory_space<vmem>>
      tpu.wait_dma2 semaphore(%run_scoped3A : memref<!tpu.dma_semaphore, #tpu.memory_space<semaphore_mem>>) src(%dma_wait3A_56 : memref<128x128xf32, #tpu.memory_space<vmem>>) dst(%dma_wait3A_53 : memref<128x128xf32, #tpu.memory_space<vmem_shared>>)
      tpu.yield
    }) : () -> ()
    %add3A_9 = arith.constant 384 : i32
    %add3A_10 = arith.addi %mul3A_2, %add3A_9 : i32
    "tpu.region"() ({
      %run_scoped3A = tpu.sem_alloc : memref<!tpu.dma_semaphore, #tpu.memory_space<semaphore_mem>>
      %dma_start3A = arith.constant 0 : i32
      %dma_start3A_39 = arith.constant 0 : i32
      %dma_start3A_40 = tpu.memref_slice %arg9[%dma_start3A, %dma_start3A_39] : memref<128x128xf32, #tpu.memory_space<vmem>> -> memref<128x128xf32, #tpu.memory_space<vmem>>
      %dma_start3A_41 = arith.constant 0 : i32
      %dma_start3A_42 = tpu.memref_slice %arg11[%add3A_10, %dma_start3A_41] : memref<10240x128xf32, #tpu.memory_space<vmem_shared>> -> memref<128x128xf32, #tpu.memory_space<vmem_shared>>
      %dma_start3A_43 = arith.constant 0 : i32
      %dma_start3A_44 = tpu.memref_slice %arg11[%add3A_10, %dma_start3A_43] : memref<10240x128xf32, #tpu.memory_space<vmem_shared>> -> memref<128x128xf32, #tpu.memory_space<vmem_shared>>
      %dma_start3A_45 = arith.constant 0 : i32
      %dma_start3A_46 = arith.constant 0 : i32
      %dma_start3A_47 = tpu.memref_slice %arg9[%dma_start3A_45, %dma_start3A_46] : memref<128x128xf32, #tpu.memory_space<vmem>> -> memref<128x128xf32, #tpu.memory_space<vmem>>
      tpu.enqueue_dma source(%dma_start3A_47 : memref<128x128xf32, #tpu.memory_space<vmem>>) target(%dma_start3A_44 : memref<128x128xf32, #tpu.memory_space<vmem_shared>>) target_semaphore(%run_scoped3A : memref<!tpu.dma_semaphore, #tpu.memory_space<semaphore_mem>>)
      %dma_wait3A = arith.constant 0 : i32
      %dma_wait3A_48 = arith.constant 0 : i32
      %dma_wait3A_49 = tpu.memref_slice %arg9[%dma_wait3A, %dma_wait3A_48] : memref<128x128xf32, #tpu.memory_space<vmem>> -> memref<128x128xf32, #tpu.memory_space<vmem>>
      %dma_wait3A_50 = arith.constant 0 : i32
      %dma_wait3A_51 = tpu.memref_slice %arg11[%add3A_10, %dma_wait3A_50] : memref<10240x128xf32, #tpu.memory_space<vmem_shared>> -> memref<128x128xf32, #tpu.memory_space<vmem_shared>>
      %dma_wait3A_52 = arith.constant 0 : i32
      %dma_wait3A_53 = tpu.memref_slice %arg11[%add3A_10, %dma_wait3A_52] : memref<10240x128xf32, #tpu.memory_space<vmem_shared>> -> memref<128x128xf32, #tpu.memory_space<vmem_shared>>
      %dma_wait3A_54 = arith.constant 0 : i32
      %dma_wait3A_55 = arith.constant 0 : i32
      %dma_wait3A_56 = tpu.memref_slice %arg9[%dma_wait3A_54, %dma_wait3A_55] : memref<128x128xf32, #tpu.memory_space<vmem>> -> memref<128x128xf32, #tpu.memory_space<vmem>>
      tpu.wait_dma2 semaphore(%run_scoped3A : memref<!tpu.dma_semaphore, #tpu.memory_space<semaphore_mem>>) src(%dma_wait3A_56 : memref<128x128xf32, #tpu.memory_space<vmem>>) dst(%dma_wait3A_53 : memref<128x128xf32, #tpu.memory_space<vmem_shared>>)
      tpu.yield
    }) : () -> ()
    %add3A_11 = arith.constant 512 : i32
    %add3A_12 = arith.addi %mul3A_2, %add3A_11 : i32
    "tpu.region"() ({
      %run_scoped3A = tpu.sem_alloc : memref<!tpu.dma_semaphore, #tpu.memory_space<semaphore_mem>>
      %dma_start3A = arith.constant 0 : i32
      %dma_start3A_39 = arith.constant 0 : i32
      %dma_start3A_40 = tpu.memref_slice %arg9[%dma_start3A, %dma_start3A_39] : memref<128x128xf32, #tpu.memory_space<vmem>> -> memref<128x128xf32, #tpu.memory_space<vmem>>
      %dma_start3A_41 = arith.constant 0 : i32
      %dma_start3A_42 = tpu.memref_slice %arg11[%add3A_12, %dma_start3A_41] : memref<10240x128xf32, #tpu.memory_space<vmem_shared>> -> memref<128x128xf32, #tpu.memory_space<vmem_shared>>
      %dma_start3A_43 = arith.constant 0 : i32
      %dma_start3A_44 = tpu.memref_slice %arg11[%add3A_12, %dma_start3A_43] : memref<10240x128xf32, #tpu.memory_space<vmem_shared>> -> memref<128x128xf32, #tpu.memory_space<vmem_shared>>
      %dma_start3A_45 = arith.constant 0 : i32
      %dma_start3A_46 = arith.constant 0 : i32
      %dma_start3A_47 = tpu.memref_slice %arg9[%dma_start3A_45, %dma_start3A_46] : memref<128x128xf32, #tpu.memory_space<vmem>> -> memref<128x128xf32, #tpu.memory_space<vmem>>
      tpu.enqueue_dma source(%dma_start3A_47 : memref<128x128xf32, #tpu.memory_space<vmem>>) target(%dma_start3A_44 : memref<128x128xf32, #tpu.memory_space<vmem_shared>>) target_semaphore(%run_scoped3A : memref<!tpu.dma_semaphore, #tpu.memory_space<semaphore_mem>>)
      %dma_wait3A = arith.constant 0 : i32
      %dma_wait3A_48 = arith.constant 0 : i32
      %dma_wait3A_49 = tpu.memref_slice %arg9[%dma_wait3A, %dma_wait3A_48] : memref<128x128xf32, #tpu.memory_space<vmem>> -> memref<128x128xf32, #tpu.memory_space<vmem>>
      %dma_wait3A_50 = arith.constant 0 : i32
      %dma_wait3A_51 = tpu.memref_slice %arg11[%add3A_12, %dma_wait3A_50] : memref<10240x128xf32, #tpu.memory_space<vmem_shared>> -> memref<128x128xf32, #tpu.memory_space<vmem_shared>>
      %dma_wait3A_52 = arith.constant 0 : i32
      %dma_wait3A_53 = tpu.memref_slice %arg11[%add3A_12, %dma_wait3A_52] : memref<10240x128xf32, #tpu.memory_space<vmem_shared>> -> memref<128x128xf32, #tpu.memory_space<vmem_shared>>
      %dma_wait3A_54 = arith.constant 0 : i32
      %dma_wait3A_55 = arith.constant 0 : i32
      %dma_wait3A_56 = tpu.memref_slice %arg9[%dma_wait3A_54, %dma_wait3A_55] : memref<128x128xf32, #tpu.memory_space<vmem>> -> memref<128x128xf32, #tpu.memory_space<vmem>>
      tpu.wait_dma2 semaphore(%run_scoped3A : memref<!tpu.dma_semaphore, #tpu.memory_space<semaphore_mem>>) src(%dma_wait3A_56 : memref<128x128xf32, #tpu.memory_space<vmem>>) dst(%dma_wait3A_53 : memref<128x128xf32, #tpu.memory_space<vmem_shared>>)
      tpu.yield
    }) : () -> ()
    %barrier3A = arith.constant 0 : index
    tpu.barrier barrier_id(%barrier3A)
    %scan3A = arith.constant 0 : i32
    %scan3A_13 = arith.constant 0 : i32
    %scan3A_14 = arith.constant 10 : i32
    %scan3A_15 = arith.addi %scan3A_13, %scan3A_14 : i32
    %scan3A_16 = arith.constant 1 : i32
    scf.for %scan3A_39 = %scan3A_13 to %scan3A_15 step %scan3A_16  : i32 {
      %mul3A_40 = arith.constant 8 : i32
      %mul3A_41 = arith.muli %scan3A_39, %mul3A_40 : i32
      "tpu.region"() ({
        %run_scoped3A = tpu.sem_alloc : memref<!tpu.dma_semaphore, #tpu.memory_space<semaphore_mem>>
        %dma_start3A_56 = arith.constant 0 : i32
        %dma_start3A_57 = arith.constant 0 : i32
        %dma_start3A_58 = tpu.memref_slice %arg2[%add3A, %dma_start3A_56, %dma_start3A_57] : memref<32x80x128xi32, #tpu.memory_space<hbm>> -> memref<1x80x128xi32, #tpu.memory_space<hbm>>
        %dma_start3A_59 = tpu.memref_squeeze %dma_start3A_58 : memref<1x80x128xi32, #tpu.memory_space<hbm>> -> memref<80x128xi32, #tpu.memory_space<hbm>>
        %dma_start3A_60 = arith.constant 0 : i32
        %dma_start3A_61 = tpu.memref_slice %dma_start3A_59[%mul3A_41, %dma_start3A_60] : memref<80x128xi32, #tpu.memory_space<hbm>> -> memref<8x128xi32, #tpu.memory_space<hbm>>
        %dma_start3A_62 = arith.constant 0 : i32
        %dma_start3A_63 = arith.constant 0 : i32
        %dma_start3A_64 = tpu.memref_slice %arg2[%add3A, %dma_start3A_62, %dma_start3A_63] : memref<32x80x128xi32, #tpu.memory_space<hbm>> -> memref<1x80x128xi32, #tpu.memory_space<hbm>>
        %dma_start3A_65 = tpu.memref_squeeze %dma_start3A_64 : memref<1x80x128xi32, #tpu.memory_space<hbm>> -> memref<80x128xi32, #tpu.memory_space<hbm>>
        %dma_start3A_66 = arith.constant 0 : i32
        %dma_start3A_67 = tpu.memref_slice %dma_start3A_65[%mul3A_41, %dma_start3A_66] : memref<80x128xi32, #tpu.memory_space<hbm>> -> memref<8x128xi32, #tpu.memory_space<hbm>>
        tpu.enqueue_dma source(%dma_start3A_67 : memref<8x128xi32, #tpu.memory_space<hbm>>) target(%arg7 : memref<8x128xi32, #tpu.memory_space<vmem>>) target_semaphore(%run_scoped3A : memref<!tpu.dma_semaphore, #tpu.memory_space<semaphore_mem>>)
        %dma_wait3A = arith.constant 0 : i32
        %dma_wait3A_68 = arith.constant 0 : i32
        %dma_wait3A_69 = tpu.memref_slice %arg2[%add3A, %dma_wait3A, %dma_wait3A_68] : memref<32x80x128xi32, #tpu.memory_space<hbm>> -> memref<1x80x128xi32, #tpu.memory_space<hbm>>
        %dma_wait3A_70 = tpu.memref_squeeze %dma_wait3A_69 : memref<1x80x128xi32, #tpu.memory_space<hbm>> -> memref<80x128xi32, #tpu.memory_space<hbm>>
        %dma_wait3A_71 = arith.constant 0 : i32
        %dma_wait3A_72 = tpu.memref_slice %dma_wait3A_70[%mul3A_41, %dma_wait3A_71] : memref<80x128xi32, #tpu.memory_space<hbm>> -> memref<8x128xi32, #tpu.memory_space<hbm>>
        %dma_wait3A_73 = arith.constant 0 : i32
        %dma_wait3A_74 = arith.constant 0 : i32
        %dma_wait3A_75 = tpu.memref_slice %arg2[%add3A, %dma_wait3A_73, %dma_wait3A_74] : memref<32x80x128xi32, #tpu.memory_space<hbm>> -> memref<1x80x128xi32, #tpu.memory_space<hbm>>
        %dma_wait3A_76 = tpu.memref_squeeze %dma_wait3A_75 : memref<1x80x128xi32, #tpu.memory_space<hbm>> -> memref<80x128xi32, #tpu.memory_space<hbm>>
        %dma_wait3A_77 = arith.constant 0 : i32
        %dma_wait3A_78 = tpu.memref_slice %dma_wait3A_76[%mul3A_41, %dma_wait3A_77] : memref<80x128xi32, #tpu.memory_space<hbm>> -> memref<8x128xi32, #tpu.memory_space<hbm>>
        tpu.wait_dma2 semaphore(%run_scoped3A : memref<!tpu.dma_semaphore, #tpu.memory_space<semaphore_mem>>) src(%dma_wait3A_78 : memref<8x128xi32, #tpu.memory_space<hbm>>) dst(%arg7 : memref<8x128xi32, #tpu.memory_space<vmem>>)
        tpu.yield
      }) : () -> ()
      %mul3A_42 = arith.constant 8 : i32
      %mul3A_43 = arith.muli %scan3A_39, %mul3A_42 : i32
      "tpu.region"() ({
        %run_scoped3A = tpu.sem_alloc : memref<!tpu.dma_semaphore, #tpu.memory_space<semaphore_mem>>
        %dma_start3A_56 = arith.constant 0 : i32
        %dma_start3A_57 = arith.constant 0 : i32
        %dma_start3A_58 = tpu.memref_slice %arg3[%add3A, %dma_start3A_56, %dma_start3A_57] : memref<32x80x128xi32, #tpu.memory_space<hbm>> -> memref<1x80x128xi32, #tpu.memory_space<hbm>>
        %dma_start3A_59 = tpu.memref_squeeze %dma_start3A_58 : memref<1x80x128xi32, #tpu.memory_space<hbm>> -> memref<80x128xi32, #tpu.memory_space<hbm>>
        %dma_start3A_60 = arith.constant 0 : i32
        %dma_start3A_61 = tpu.memref_slice %dma_start3A_59[%mul3A_43, %dma_start3A_60] : memref<80x128xi32, #tpu.memory_space<hbm>> -> memref<8x128xi32, #tpu.memory_space<hbm>>
        %dma_start3A_62 = arith.constant 0 : i32
        %dma_start3A_63 = arith.constant 0 : i32
        %dma_start3A_64 = tpu.memref_slice %arg3[%add3A, %dma_start3A_62, %dma_start3A_63] : memref<32x80x128xi32, #tpu.memory_space<hbm>> -> memref<1x80x128xi32, #tpu.memory_space<hbm>>
        %dma_start3A_65 = tpu.memref_squeeze %dma_start3A_64 : memref<1x80x128xi32, #tpu.memory_space<hbm>> -> memref<80x128xi32, #tpu.memory_space<hbm>>
        %dma_start3A_66 = arith.constant 0 : i32
        %dma_start3A_67 = tpu.memref_slice %dma_start3A_65[%mul3A_43, %dma_start3A_66] : memref<80x128xi32, #tpu.memory_space<hbm>> -> memref<8x128xi32, #tpu.memory_space<hbm>>
        tpu.enqueue_dma source(%dma_start3A_67 : memref<8x128xi32, #tpu.memory_space<hbm>>) target(%arg8 : memref<8x128xi32, #tpu.memory_space<vmem>>) target_semaphore(%run_scoped3A : memref<!tpu.dma_semaphore, #tpu.memory_space<semaphore_mem>>)
        %dma_wait3A = arith.constant 0 : i32
        %dma_wait3A_68 = arith.constant 0 : i32
        %dma_wait3A_69 = tpu.memref_slice %arg3[%add3A, %dma_wait3A, %dma_wait3A_68] : memref<32x80x128xi32, #tpu.memory_space<hbm>> -> memref<1x80x128xi32, #tpu.memory_space<hbm>>
        %dma_wait3A_70 = tpu.memref_squeeze %dma_wait3A_69 : memref<1x80x128xi32, #tpu.memory_space<hbm>> -> memref<80x128xi32, #tpu.memory_space<hbm>>
        %dma_wait3A_71 = arith.constant 0 : i32
        %dma_wait3A_72 = tpu.memref_slice %dma_wait3A_70[%mul3A_43, %dma_wait3A_71] : memref<80x128xi32, #tpu.memory_space<hbm>> -> memref<8x128xi32, #tpu.memory_space<hbm>>
        %dma_wait3A_73 = arith.constant 0 : i32
        %dma_wait3A_74 = arith.constant 0 : i32
        %dma_wait3A_75 = tpu.memref_slice %arg3[%add3A, %dma_wait3A_73, %dma_wait3A_74] : memref<32x80x128xi32, #tpu.memory_space<hbm>> -> memref<1x80x128xi32, #tpu.memory_space<hbm>>
        %dma_wait3A_76 = tpu.memref_squeeze %dma_wait3A_75 : memref<1x80x128xi32, #tpu.memory_space<hbm>> -> memref<80x128xi32, #tpu.memory_space<hbm>>
        %dma_wait3A_77 = arith.constant 0 : i32
        %dma_wait3A_78 = tpu.memref_slice %dma_wait3A_76[%mul3A_43, %dma_wait3A_77] : memref<80x128xi32, #tpu.memory_space<hbm>> -> memref<8x128xi32, #tpu.memory_space<hbm>>
        tpu.wait_dma2 semaphore(%run_scoped3A : memref<!tpu.dma_semaphore, #tpu.memory_space<semaphore_mem>>) src(%dma_wait3A_78 : memref<8x128xi32, #tpu.memory_space<hbm>>) dst(%arg8 : memref<8x128xi32, #tpu.memory_space<vmem>>)
        tpu.yield
      }) : () -> ()
      %dma_start3A = arith.constant 0 : i32
      %dma_start3A_44 = arith.constant 0 : i32
      %dma_start3A_45 = tpu.memref_slice %arg7[%dma_start3A, %dma_start3A_44] : memref<8x128xi32, #tpu.memory_space<vmem>> -> memref<1x128xi32, #tpu.memory_space<vmem>>
      %dma_start3A_46 = tpu.memref_squeeze %dma_start3A_45 : memref<1x128xi32, #tpu.memory_space<vmem>> -> memref<128xi32, #tpu.memory_space<vmem>>
      %dma_start3A_47 = arith.constant 0 : i32
      %dma_start3A_48 = arith.constant 0 : i32
      %dma_start3A_49 = tpu.memref_slice %arg4[%dma_start3A_47, %dma_start3A_48] : memref<10000x128xf32, #tpu.memory_space<hbm>> -> memref<10000x128xf32, #tpu.memory_space<hbm>>
      tpu.enqueue_indirect_dma source(%dma_start3A_49 : memref<10000x128xf32, #tpu.memory_space<hbm>>) target(%arg9 : memref<128x128xf32, #tpu.memory_space<vmem>>) offsets(%dma_start3A_46 : memref<128xi32, #tpu.memory_space<vmem>>) semaphore(%arg12 : memref<!tpu.dma_semaphore, #tpu.memory_space<semaphore_mem>>)
      %scan3A_50 = arith.constant 0 : i32
      %scan3A_51 = arith.constant 0 : i32
      %scan3A_52 = arith.constant 4 : i32
      %scan3A_53 = arith.addi %scan3A_51, %scan3A_52 : i32
      %scan3A_54 = arith.constant 1 : i32
      scf.for %scan3A_56 = %scan3A_51 to %scan3A_53 step %scan3A_54  : i32 {
        %mul3A_57 = arith.constant 2 : i32
        %mul3A_58 = arith.muli %mul3A_57, %scan3A_56 : i32
        %add3A_59 = arith.constant 1 : i32
        %add3A_60 = arith.addi %mul3A_58, %add3A_59 : i32
        %dma_start3A_61 = arith.constant 0 : i32
        %dma_start3A_62 = tpu.memref_slice %arg7[%add3A_60, %dma_start3A_61] : memref<8x128xi32, #tpu.memory_space<vmem>> -> memref<1x128xi32, #tpu.memory_space<vmem>>
        %dma_start3A_63 = tpu.memref_squeeze %dma_start3A_62 : memref<1x128xi32, #tpu.memory_space<vmem>> -> memref<128xi32, #tpu.memory_space<vmem>>
        %dma_start3A_64 = arith.constant 0 : i32
        %dma_start3A_65 = arith.constant 0 : i32
        %dma_start3A_66 = tpu.memref_slice %arg4[%dma_start3A_64, %dma_start3A_65] : memref<10000x128xf32, #tpu.memory_space<hbm>> -> memref<10000x128xf32, #tpu.memory_space<hbm>>
        tpu.enqueue_indirect_dma source(%dma_start3A_66 : memref<10000x128xf32, #tpu.memory_space<hbm>>) target(%arg10 : memref<128x128xf32, #tpu.memory_space<vmem>>) offsets(%dma_start3A_63 : memref<128xi32, #tpu.memory_space<vmem>>) semaphore(%arg13 : memref<!tpu.dma_semaphore, #tpu.memory_space<semaphore_mem>>)
        %dma_wait3A = arith.constant 0 : i32
        %dma_wait3A_67 = tpu.memref_slice %arg7[%mul3A_58, %dma_wait3A] : memref<8x128xi32, #tpu.memory_space<vmem>> -> memref<1x128xi32, #tpu.memory_space<vmem>>
        %dma_wait3A_68 = tpu.memref_squeeze %dma_wait3A_67 : memref<1x128xi32, #tpu.memory_space<vmem>> -> memref<128xi32, #tpu.memory_space<vmem>>
        %dma_wait3A_69 = arith.constant 0 : i32
        %dma_wait3A_70 = arith.constant 0 : i32
        %dma_wait3A_71 = tpu.memref_slice %arg4[%dma_wait3A_69, %dma_wait3A_70] : memref<10000x128xf32, #tpu.memory_space<hbm>> -> memref<10000x128xf32, #tpu.memory_space<hbm>>
        tpu.wait_indirect_dma semaphore(%arg12 : memref<!tpu.dma_semaphore, #tpu.memory_space<semaphore_mem>>) src(%dma_wait3A_71 : memref<10000x128xf32, #tpu.memory_space<hbm>>) dst(%arg9 : memref<128x128xf32, #tpu.memory_space<vmem>>)
        "tpu.region"() ({
          %run_scoped3A = tpu.sem_alloc : memref<!tpu.dma_semaphore, #tpu.memory_space<semaphore_mem>>
          %dma_start3A_86 = arith.constant 0 : i32
          %dma_start3A_87 = tpu.memref_slice %arg8[%mul3A_58, %dma_start3A_86] : memref<8x128xi32, #tpu.memory_space<vmem>> -> memref<1x128xi32, #tpu.memory_space<vmem>>
          %dma_start3A_88 = tpu.memref_squeeze %dma_start3A_87 : memref<1x128xi32, #tpu.memory_space<vmem>> -> memref<128xi32, #tpu.memory_space<vmem>>
          %dma_start3A_89 = arith.constant 0 : i32
          %dma_start3A_90 = arith.constant 0 : i32
          %dma_start3A_91 = tpu.memref_slice %arg11[%dma_start3A_89, %dma_start3A_90] : memref<10240x128xf32, #tpu.memory_space<vmem_shared>> -> memref<10240x128xf32, #tpu.memory_space<vmem_shared>>
          tpu.enqueue_indirect_dma source(%arg9 : memref<128x128xf32, #tpu.memory_space<vmem>>) target(%dma_start3A_91 : memref<10240x128xf32, #tpu.memory_space<vmem_shared>>) offsets(%dma_start3A_88 : memref<128xi32, #tpu.memory_space<vmem>>) semaphore(%run_scoped3A : memref<!tpu.dma_semaphore, #tpu.memory_space<semaphore_mem>>) {add = true}
          %dma_wait3A_92 = arith.constant 0 : i32
          %dma_wait3A_93 = tpu.memref_slice %arg8[%mul3A_58, %dma_wait3A_92] : memref<8x128xi32, #tpu.memory_space<vmem>> -> memref<1x128xi32, #tpu.memory_space<vmem>>
          %dma_wait3A_94 = tpu.memref_squeeze %dma_wait3A_93 : memref<1x128xi32, #tpu.memory_space<vmem>> -> memref<128xi32, #tpu.memory_space<vmem>>
          %dma_wait3A_95 = arith.constant 0 : i32
          %dma_wait3A_96 = arith.constant 0 : i32
          %dma_wait3A_97 = tpu.memref_slice %arg11[%dma_wait3A_95, %dma_wait3A_96] : memref<10240x128xf32, #tpu.memory_space<vmem_shared>> -> memref<10240x128xf32, #tpu.memory_space<vmem_shared>>
          tpu.wait_indirect_dma semaphore(%run_scoped3A : memref<!tpu.dma_semaphore, #tpu.memory_space<semaphore_mem>>) src(%arg9 : memref<128x128xf32, #tpu.memory_space<vmem>>) dst(%dma_wait3A_97 : memref<10240x128xf32, #tpu.memory_space<vmem_shared>>)
          tpu.yield
        }) : () -> ()
        %add3A_72 = arith.constant 2 : i32
        %add3A_73 = arith.addi %mul3A_58, %add3A_72 : i32
        %lt3A = arith.constant 8 : i32
        %lt3A_74 = arith.cmpi slt, %add3A_73, %lt3A : i32
        %convert_element_type3A = arith.extui %lt3A_74 : i1 to i32
        %cond3A = arith.constant 0 : i32
        %cond3A_75 = arith.cmpi ne, %convert_element_type3A, %cond3A : i32
        scf.if %cond3A_75 {
          %add3A_86 = arith.constant 2 : i32
          %add3A_87 = arith.addi %mul3A_58, %add3A_86 : i32
          %dma_start3A_88 = arith.constant 0 : i32
          %dma_start3A_89 = tpu.memref_slice %arg7[%add3A_87, %dma_start3A_88] : memref<8x128xi32, #tpu.memory_space<vmem>> -> memref<1x128xi32, #tpu.memory_space<vmem>>
          %dma_start3A_90 = tpu.memref_squeeze %dma_start3A_89 : memref<1x128xi32, #tpu.memory_space<vmem>> -> memref<128xi32, #tpu.memory_space<vmem>>
          %dma_start3A_91 = arith.constant 0 : i32
          %dma_start3A_92 = arith.constant 0 : i32
          %dma_start3A_93 = tpu.memref_slice %arg4[%dma_start3A_91, %dma_start3A_92] : memref<10000x128xf32, #tpu.memory_space<hbm>> -> memref<10000x128xf32, #tpu.memory_space<hbm>>
          tpu.enqueue_indirect_dma source(%dma_start3A_93 : memref<10000x128xf32, #tpu.memory_space<hbm>>) target(%arg9 : memref<128x128xf32, #tpu.memory_space<vmem>>) offsets(%dma_start3A_90 : memref<128xi32, #tpu.memory_space<vmem>>) semaphore(%arg12 : memref<!tpu.dma_semaphore, #tpu.memory_space<semaphore_mem>>)
        } else {
        }
        %add3A_76 = arith.constant 1 : i32
        %add3A_77 = arith.addi %mul3A_58, %add3A_76 : i32
        %dma_wait3A_78 = arith.constant 0 : i32
        %dma_wait3A_79 = tpu.memref_slice %arg7[%add3A_77, %dma_wait3A_78] : memref<8x128xi32, #tpu.memory_space<vmem>> -> memref<1x128xi32, #tpu.memory_space<vmem>>
        %dma_wait3A_80 = tpu.memref_squeeze %dma_wait3A_79 : memref<1x128xi32, #tpu.memory_space<vmem>> -> memref<128xi32, #tpu.memory_space<vmem>>
        %dma_wait3A_81 = arith.constant 0 : i32
        %dma_wait3A_82 = arith.constant 0 : i32
        %dma_wait3A_83 = tpu.memref_slice %arg4[%dma_wait3A_81, %dma_wait3A_82] : memref<10000x128xf32, #tpu.memory_space<hbm>> -> memref<10000x128xf32, #tpu.memory_space<hbm>>
        tpu.wait_indirect_dma semaphore(%arg13 : memref<!tpu.dma_semaphore, #tpu.memory_space<semaphore_mem>>) src(%dma_wait3A_83 : memref<10000x128xf32, #tpu.memory_space<hbm>>) dst(%arg10 : memref<128x128xf32, #tpu.memory_space<vmem>>)
        %add3A_84 = arith.constant 1 : i32
        %add3A_85 = arith.addi %mul3A_58, %add3A_84 : i32
        "tpu.region"() ({
          %run_scoped3A = tpu.sem_alloc : memref<!tpu.dma_semaphore, #tpu.memory_space<semaphore_mem>>
          %dma_start3A_86 = arith.constant 0 : i32
          %dma_start3A_87 = tpu.memref_slice %arg8[%add3A_85, %dma_start3A_86] : memref<8x128xi32, #tpu.memory_space<vmem>> -> memref<1x128xi32, #tpu.memory_space<vmem>>
          %dma_start3A_88 = tpu.memref_squeeze %dma_start3A_87 : memref<1x128xi32, #tpu.memory_space<vmem>> -> memref<128xi32, #tpu.memory_space<vmem>>
          %dma_start3A_89 = arith.constant 0 : i32
          %dma_start3A_90 = arith.constant 0 : i32
          %dma_start3A_91 = tpu.memref_slice %arg11[%dma_start3A_89, %dma_start3A_90] : memref<10240x128xf32, #tpu.memory_space<vmem_shared>> -> memref<10240x128xf32, #tpu.memory_space<vmem_shared>>
          tpu.enqueue_indirect_dma source(%arg10 : memref<128x128xf32, #tpu.memory_space<vmem>>) target(%dma_start3A_91 : memref<10240x128xf32, #tpu.memory_space<vmem_shared>>) offsets(%dma_start3A_88 : memref<128xi32, #tpu.memory_space<vmem>>) semaphore(%run_scoped3A : memref<!tpu.dma_semaphore, #tpu.memory_space<semaphore_mem>>) {add = true}
          %dma_wait3A_92 = arith.constant 0 : i32
          %dma_wait3A_93 = tpu.memref_slice %arg8[%add3A_85, %dma_wait3A_92] : memref<8x128xi32, #tpu.memory_space<vmem>> -> memref<1x128xi32, #tpu.memory_space<vmem>>
          %dma_wait3A_94 = tpu.memref_squeeze %dma_wait3A_93 : memref<1x128xi32, #tpu.memory_space<vmem>> -> memref<128xi32, #tpu.memory_space<vmem>>
          %dma_wait3A_95 = arith.constant 0 : i32
          %dma_wait3A_96 = arith.constant 0 : i32
          %dma_wait3A_97 = tpu.memref_slice %arg11[%dma_wait3A_95, %dma_wait3A_96] : memref<10240x128xf32, #tpu.memory_space<vmem_shared>> -> memref<10240x128xf32, #tpu.memory_space<vmem_shared>>
          tpu.wait_indirect_dma semaphore(%run_scoped3A : memref<!tpu.dma_semaphore, #tpu.memory_space<semaphore_mem>>) src(%arg10 : memref<128x128xf32, #tpu.memory_space<vmem>>) dst(%dma_wait3A_97 : memref<10240x128xf32, #tpu.memory_space<vmem_shared>>)
          tpu.yield
        }) : () -> ()
      }
      %scan3A_55 = arith.constant 4 : i32
    }
    %scan3A_17 = arith.constant 10 : i32
    %barrier3A_18 = arith.constant 0 : index
    tpu.barrier barrier_id(%barrier3A_18)
    %add3A_19 = arith.constant 0 : i32
    %add3A_20 = arith.addi %mul3A_2, %add3A_19 : i32
    %add3A_21 = arith.constant 0 : i32
    %add3A_22 = arith.addi %mul3A_2, %add3A_21 : i32
    "tpu.region"() ({
      %run_scoped3A = tpu.sem_alloc : memref<!tpu.dma_semaphore, #tpu.memory_space<semaphore_mem>>
      %dma_start3A = arith.constant 0 : i32
      %dma_start3A_39 = arith.constant 0 : i32
      %dma_start3A_40 = tpu.memref_slice %arg6[%arg0, %dma_start3A, %dma_start3A_39] : memref<2x10240x128xf32, #tpu.memory_space<hbm>> -> memref<1x10240x128xf32, #tpu.memory_space<hbm>>
      %dma_start3A_41 = tpu.memref_squeeze %dma_start3A_40 : memref<1x10240x128xf32, #tpu.memory_space<hbm>> -> memref<10240x128xf32, #tpu.memory_space<hbm>>
      %dma_start3A_42 = arith.constant 0 : i32
      %dma_start3A_43 = tpu.memref_slice %dma_start3A_41[%add3A_22, %dma_start3A_42] : memref<10240x128xf32, #tpu.memory_space<hbm>> -> memref<128x128xf32, #tpu.memory_space<hbm>>
      %dma_start3A_44 = arith.constant 0 : i32
      %dma_start3A_45 = tpu.memref_slice %arg11[%add3A_20, %dma_start3A_44] : memref<10240x128xf32, #tpu.memory_space<vmem_shared>> -> memref<128x128xf32, #tpu.memory_space<vmem_shared>>
      tpu.enqueue_dma source(%dma_start3A_45 : memref<128x128xf32, #tpu.memory_space<vmem_shared>>) target(%dma_start3A_43 : memref<128x128xf32, #tpu.memory_space<hbm>>) target_semaphore(%run_scoped3A : memref<!tpu.dma_semaphore, #tpu.memory_space<semaphore_mem>>)
      %dma_wait3A = arith.constant 0 : i32
      %dma_wait3A_46 = arith.constant 0 : i32
      %dma_wait3A_47 = tpu.memref_slice %arg6[%arg0, %dma_wait3A, %dma_wait3A_46] : memref<2x10240x128xf32, #tpu.memory_space<hbm>> -> memref<1x10240x128xf32, #tpu.memory_space<hbm>>
      %dma_wait3A_48 = tpu.memref_squeeze %dma_wait3A_47 : memref<1x10240x128xf32, #tpu.memory_space<hbm>> -> memref<10240x128xf32, #tpu.memory_space<hbm>>
      %dma_wait3A_49 = arith.constant 0 : i32
      %dma_wait3A_50 = tpu.memref_slice %dma_wait3A_48[%add3A_22, %dma_wait3A_49] : memref<10240x128xf32, #tpu.memory_space<hbm>> -> memref<128x128xf32, #tpu.memory_space<hbm>>
      %dma_wait3A_51 = arith.constant 0 : i32
      %dma_wait3A_52 = tpu.memref_slice %arg11[%add3A_20, %dma_wait3A_51] : memref<10240x128xf32, #tpu.memory_space<vmem_shared>> -> memref<128x128xf32, #tpu.memory_space<vmem_shared>>
      tpu.wait_dma2 semaphore(%run_scoped3A : memref<!tpu.dma_semaphore, #tpu.memory_space<semaphore_mem>>) src(%dma_wait3A_52 : memref<128x128xf32, #tpu.memory_space<vmem_shared>>) dst(%dma_wait3A_50 : memref<128x128xf32, #tpu.memory_space<hbm>>)
      tpu.yield
    }) : () -> ()
    %add3A_23 = arith.constant 128 : i32
    %add3A_24 = arith.addi %mul3A_2, %add3A_23 : i32
    %add3A_25 = arith.constant 128 : i32
    %add3A_26 = arith.addi %mul3A_2, %add3A_25 : i32
    "tpu.region"() ({
      %run_scoped3A = tpu.sem_alloc : memref<!tpu.dma_semaphore, #tpu.memory_space<semaphore_mem>>
      %dma_start3A = arith.constant 0 : i32
      %dma_start3A_39 = arith.constant 0 : i32
      %dma_start3A_40 = tpu.memref_slice %arg6[%arg0, %dma_start3A, %dma_start3A_39] : memref<2x10240x128xf32, #tpu.memory_space<hbm>> -> memref<1x10240x128xf32, #tpu.memory_space<hbm>>
      %dma_start3A_41 = tpu.memref_squeeze %dma_start3A_40 : memref<1x10240x128xf32, #tpu.memory_space<hbm>> -> memref<10240x128xf32, #tpu.memory_space<hbm>>
      %dma_start3A_42 = arith.constant 0 : i32
      %dma_start3A_43 = tpu.memref_slice %dma_start3A_41[%add3A_26, %dma_start3A_42] : memref<10240x128xf32, #tpu.memory_space<hbm>> -> memref<128x128xf32, #tpu.memory_space<hbm>>
      %dma_start3A_44 = arith.constant 0 : i32
      %dma_start3A_45 = tpu.memref_slice %arg11[%add3A_24, %dma_start3A_44] : memref<10240x128xf32, #tpu.memory_space<vmem_shared>> -> memref<128x128xf32, #tpu.memory_space<vmem_shared>>
      tpu.enqueue_dma source(%dma_start3A_45 : memref<128x128xf32, #tpu.memory_space<vmem_shared>>) target(%dma_start3A_43 : memref<128x128xf32, #tpu.memory_space<hbm>>) target_semaphore(%run_scoped3A : memref<!tpu.dma_semaphore, #tpu.memory_space<semaphore_mem>>)
      %dma_wait3A = arith.constant 0 : i32
      %dma_wait3A_46 = arith.constant 0 : i32
      %dma_wait3A_47 = tpu.memref_slice %arg6[%arg0, %dma_wait3A, %dma_wait3A_46] : memref<2x10240x128xf32, #tpu.memory_space<hbm>> -> memref<1x10240x128xf32, #tpu.memory_space<hbm>>
      %dma_wait3A_48 = tpu.memref_squeeze %dma_wait3A_47 : memref<1x10240x128xf32, #tpu.memory_space<hbm>> -> memref<10240x128xf32, #tpu.memory_space<hbm>>
      %dma_wait3A_49 = arith.constant 0 : i32
      %dma_wait3A_50 = tpu.memref_slice %dma_wait3A_48[%add3A_26, %dma_wait3A_49] : memref<10240x128xf32, #tpu.memory_space<hbm>> -> memref<128x128xf32, #tpu.memory_space<hbm>>
      %dma_wait3A_51 = arith.constant 0 : i32
      %dma_wait3A_52 = tpu.memref_slice %arg11[%add3A_24, %dma_wait3A_51] : memref<10240x128xf32, #tpu.memory_space<vmem_shared>> -> memref<128x128xf32, #tpu.memory_space<vmem_shared>>
      tpu.wait_dma2 semaphore(%run_scoped3A : memref<!tpu.dma_semaphore, #tpu.memory_space<semaphore_mem>>) src(%dma_wait3A_52 : memref<128x128xf32, #tpu.memory_space<vmem_shared>>) dst(%dma_wait3A_50 : memref<128x128xf32, #tpu.memory_space<hbm>>)
      tpu.yield
    }) : () -> ()
    %add3A_27 = arith.constant 256 : i32
    %add3A_28 = arith.addi %mul3A_2, %add3A_27 : i32
    %add3A_29 = arith.constant 256 : i32
    %add3A_30 = arith.addi %mul3A_2, %add3A_29 : i32
    "tpu.region"() ({
      %run_scoped3A = tpu.sem_alloc : memref<!tpu.dma_semaphore, #tpu.memory_space<semaphore_mem>>
      %dma_start3A = arith.constant 0 : i32
      %dma_start3A_39 = arith.constant 0 : i32
      %dma_start3A_40 = tpu.memref_slice %arg6[%arg0, %dma_start3A, %dma_start3A_39] : memref<2x10240x128xf32, #tpu.memory_space<hbm>> -> memref<1x10240x128xf32, #tpu.memory_space<hbm>>
      %dma_start3A_41 = tpu.memref_squeeze %dma_start3A_40 : memref<1x10240x128xf32, #tpu.memory_space<hbm>> -> memref<10240x128xf32, #tpu.memory_space<hbm>>
      %dma_start3A_42 = arith.constant 0 : i32
      %dma_start3A_43 = tpu.memref_slice %dma_start3A_41[%add3A_30, %dma_start3A_42] : memref<10240x128xf32, #tpu.memory_space<hbm>> -> memref<128x128xf32, #tpu.memory_space<hbm>>
      %dma_start3A_44 = arith.constant 0 : i32
      %dma_start3A_45 = tpu.memref_slice %arg11[%add3A_28, %dma_start3A_44] : memref<10240x128xf32, #tpu.memory_space<vmem_shared>> -> memref<128x128xf32, #tpu.memory_space<vmem_shared>>
      tpu.enqueue_dma source(%dma_start3A_45 : memref<128x128xf32, #tpu.memory_space<vmem_shared>>) target(%dma_start3A_43 : memref<128x128xf32, #tpu.memory_space<hbm>>) target_semaphore(%run_scoped3A : memref<!tpu.dma_semaphore, #tpu.memory_space<semaphore_mem>>)
      %dma_wait3A = arith.constant 0 : i32
      %dma_wait3A_46 = arith.constant 0 : i32
      %dma_wait3A_47 = tpu.memref_slice %arg6[%arg0, %dma_wait3A, %dma_wait3A_46] : memref<2x10240x128xf32, #tpu.memory_space<hbm>> -> memref<1x10240x128xf32, #tpu.memory_space<hbm>>
      %dma_wait3A_48 = tpu.memref_squeeze %dma_wait3A_47 : memref<1x10240x128xf32, #tpu.memory_space<hbm>> -> memref<10240x128xf32, #tpu.memory_space<hbm>>
      %dma_wait3A_49 = arith.constant 0 : i32
      %dma_wait3A_50 = tpu.memref_slice %dma_wait3A_48[%add3A_30, %dma_wait3A_49] : memref<10240x128xf32, #tpu.memory_space<hbm>> -> memref<128x128xf32, #tpu.memory_space<hbm>>
      %dma_wait3A_51 = arith.constant 0 : i32
      %dma_wait3A_52 = tpu.memref_slice %arg11[%add3A_28, %dma_wait3A_51] : memref<10240x128xf32, #tpu.memory_space<vmem_shared>> -> memref<128x128xf32, #tpu.memory_space<vmem_shared>>
      tpu.wait_dma2 semaphore(%run_scoped3A : memref<!tpu.dma_semaphore, #tpu.memory_space<semaphore_mem>>) src(%dma_wait3A_52 : memref<128x128xf32, #tpu.memory_space<vmem_shared>>) dst(%dma_wait3A_50 : memref<128x128xf32, #tpu.memory_space<hbm>>)
      tpu.yield
    }) : () -> ()
    %add3A_31 = arith.constant 384 : i32
    %add3A_32 = arith.addi %mul3A_2, %add3A_31 : i32
    %add3A_33 = arith.constant 384 : i32
    %add3A_34 = arith.addi %mul3A_2, %add3A_33 : i32
    "tpu.region"() ({
      %run_scoped3A = tpu.sem_alloc : memref<!tpu.dma_semaphore, #tpu.memory_space<semaphore_mem>>
      %dma_start3A = arith.constant 0 : i32
      %dma_start3A_39 = arith.constant 0 : i32
      %dma_start3A_40 = tpu.memref_slice %arg6[%arg0, %dma_start3A, %dma_start3A_39] : memref<2x10240x128xf32, #tpu.memory_space<hbm>> -> memref<1x10240x128xf32, #tpu.memory_space<hbm>>
      %dma_start3A_41 = tpu.memref_squeeze %dma_start3A_40 : memref<1x10240x128xf32, #tpu.memory_space<hbm>> -> memref<10240x128xf32, #tpu.memory_space<hbm>>
      %dma_start3A_42 = arith.constant 0 : i32
      %dma_start3A_43 = tpu.memref_slice %dma_start3A_41[%add3A_34, %dma_start3A_42] : memref<10240x128xf32, #tpu.memory_space<hbm>> -> memref<128x128xf32, #tpu.memory_space<hbm>>
      %dma_start3A_44 = arith.constant 0 : i32
      %dma_start3A_45 = tpu.memref_slice %arg11[%add3A_32, %dma_start3A_44] : memref<10240x128xf32, #tpu.memory_space<vmem_shared>> -> memref<128x128xf32, #tpu.memory_space<vmem_shared>>
      tpu.enqueue_dma source(%dma_start3A_45 : memref<128x128xf32, #tpu.memory_space<vmem_shared>>) target(%dma_start3A_43 : memref<128x128xf32, #tpu.memory_space<hbm>>) target_semaphore(%run_scoped3A : memref<!tpu.dma_semaphore, #tpu.memory_space<semaphore_mem>>)
      %dma_wait3A = arith.constant 0 : i32
      %dma_wait3A_46 = arith.constant 0 : i32
      %dma_wait3A_47 = tpu.memref_slice %arg6[%arg0, %dma_wait3A, %dma_wait3A_46] : memref<2x10240x128xf32, #tpu.memory_space<hbm>> -> memref<1x10240x128xf32, #tpu.memory_space<hbm>>
      %dma_wait3A_48 = tpu.memref_squeeze %dma_wait3A_47 : memref<1x10240x128xf32, #tpu.memory_space<hbm>> -> memref<10240x128xf32, #tpu.memory_space<hbm>>
      %dma_wait3A_49 = arith.constant 0 : i32
      %dma_wait3A_50 = tpu.memref_slice %dma_wait3A_48[%add3A_34, %dma_wait3A_49] : memref<10240x128xf32, #tpu.memory_space<hbm>> -> memref<128x128xf32, #tpu.memory_space<hbm>>
      %dma_wait3A_51 = arith.constant 0 : i32
      %dma_wait3A_52 = tpu.memref_slice %arg11[%add3A_32, %dma_wait3A_51] : memref<10240x128xf32, #tpu.memory_space<vmem_shared>> -> memref<128x128xf32, #tpu.memory_space<vmem_shared>>
      tpu.wait_dma2 semaphore(%run_scoped3A : memref<!tpu.dma_semaphore, #tpu.memory_space<semaphore_mem>>) src(%dma_wait3A_52 : memref<128x128xf32, #tpu.memory_space<vmem_shared>>) dst(%dma_wait3A_50 : memref<128x128xf32, #tpu.memory_space<hbm>>)
      tpu.yield
    }) : () -> ()
    %add3A_35 = arith.constant 512 : i32
    %add3A_36 = arith.addi %mul3A_2, %add3A_35 : i32
    %add3A_37 = arith.constant 512 : i32
    %add3A_38 = arith.addi %mul3A_2, %add3A_37 : i32
    "tpu.region"() ({
      %run_scoped3A = tpu.sem_alloc : memref<!tpu.dma_semaphore, #tpu.memory_space<semaphore_mem>>
      %dma_start3A = arith.constant 0 : i32
      %dma_start3A_39 = arith.constant 0 : i32
      %dma_start3A_40 = tpu.memref_slice %arg6[%arg0, %dma_start3A, %dma_start3A_39] : memref<2x10240x128xf32, #tpu.memory_space<hbm>> -> memref<1x10240x128xf32, #tpu.memory_space<hbm>>
      %dma_start3A_41 = tpu.memref_squeeze %dma_start3A_40 : memref<1x10240x128xf32, #tpu.memory_space<hbm>> -> memref<10240x128xf32, #tpu.memory_space<hbm>>
      %dma_start3A_42 = arith.constant 0 : i32
      %dma_start3A_43 = tpu.memref_slice %dma_start3A_41[%add3A_38, %dma_start3A_42] : memref<10240x128xf32, #tpu.memory_space<hbm>> -> memref<128x128xf32, #tpu.memory_space<hbm>>
      %dma_start3A_44 = arith.constant 0 : i32
      %dma_start3A_45 = tpu.memref_slice %arg11[%add3A_36, %dma_start3A_44] : memref<10240x128xf32, #tpu.memory_space<vmem_shared>> -> memref<128x128xf32, #tpu.memory_space<vmem_shared>>
      tpu.enqueue_dma source(%dma_start3A_45 : memref<128x128xf32, #tpu.memory_space<vmem_shared>>) target(%dma_start3A_43 : memref<128x128xf32, #tpu.memory_space<hbm>>) target_semaphore(%run_scoped3A : memref<!tpu.dma_semaphore, #tpu.memory_space<semaphore_mem>>)
      %dma_wait3A = arith.constant 0 : i32
      %dma_wait3A_46 = arith.constant 0 : i32
      %dma_wait3A_47 = tpu.memref_slice %arg6[%arg0, %dma_wait3A, %dma_wait3A_46] : memref<2x10240x128xf32, #tpu.memory_space<hbm>> -> memref<1x10240x128xf32, #tpu.memory_space<hbm>>
      %dma_wait3A_48 = tpu.memref_squeeze %dma_wait3A_47 : memref<1x10240x128xf32, #tpu.memory_space<hbm>> -> memref<10240x128xf32, #tpu.memory_space<hbm>>
      %dma_wait3A_49 = arith.constant 0 : i32
      %dma_wait3A_50 = tpu.memref_slice %dma_wait3A_48[%add3A_38, %dma_wait3A_49] : memref<10240x128xf32, #tpu.memory_space<hbm>> -> memref<128x128xf32, #tpu.memory_space<hbm>>
      %dma_wait3A_51 = arith.constant 0 : i32
      %dma_wait3A_52 = tpu.memref_slice %arg11[%add3A_36, %dma_wait3A_51] : memref<10240x128xf32, #tpu.memory_space<vmem_shared>> -> memref<128x128xf32, #tpu.memory_space<vmem_shared>>
      tpu.wait_dma2 semaphore(%run_scoped3A : memref<!tpu.dma_semaphore, #tpu.memory_space<semaphore_mem>>) src(%dma_wait3A_52 : memref<128x128xf32, #tpu.memory_space<vmem_shared>>) dst(%dma_wait3A_50 : memref<128x128xf32, #tpu.memory_space<hbm>>)
      tpu.yield
    }) : () -> ()
    return
  }
}

module attributes {stable_mosaic.version = 14 : i64} {
  func.func @_y_body(%arg0: i32, %arg1: memref<1x1000x1xf32, #tpu.memory_space<vmem>>, %arg2: memref<1x1000x1xf32, #tpu.memory_space<vmem>>, %arg3: memref<1000x128xf32, #tpu.memory_space<vmem>>, %arg4: memref<128x128xf32, #tpu.memory_space<vmem>>, %arg5: memref<1000x128xf32, #tpu.memory_space<vmem>>) attributes {dimension_semantics = [#tpu.dimension_semantics<arbitrary>], iteration_bounds = array<i64: 10>, scalar_prefetch = 0 : i64, scratch_operands = 0 : i64, tpu.core_type = #tpu.core_type<tc>, window_params = [{transform_indices = @transform_0, window_bounds = array<i64: 1, 1000, 1>}, {transform_indices = @transform_1, window_bounds = array<i64: 1, 1000, 1>}, {transform_indices = @transform_2, window_bounds = array<i64: 1000, 128>}, {pipeline_mode = #tpu.pipeline_mode<synchronous>, transform_indices = @transform_3, window_bounds = array<i64: 128, 128>}, {transform_indices = @transform_4, window_bounds = array<i64: 1000, 128>}]} {
    %get3A = arith.constant 0 : index
    %get3A_0 = arith.constant 0 : index
    %get3A_1 = arith.constant 0 : index
    %get3A_2 = vector.load %arg1[%get3A, %get3A_0, %get3A_1] : memref<1x1000x1xf32, #tpu.memory_space<vmem>>, vector<1x1000x1xf32>
    %get3A_3 = vector.shape_cast %get3A_2 : vector<1x1000x1xf32> to vector<1000x1xf32>
    %get3A_4 = arith.constant 0 : index
    %get3A_5 = arith.constant 0 : index
    %get3A_6 = arith.constant 0 : index
    %get3A_7 = vector.load %arg2[%get3A_4, %get3A_5, %get3A_6] : memref<1x1000x1xf32, #tpu.memory_space<vmem>>, vector<1x1000x1xf32>
    %get3A_8 = vector.shape_cast %get3A_7 : vector<1x1000x1xf32> to vector<1000x1xf32>
    %add3A = arith.addf %get3A_3, %get3A_8 : vector<1000x1xf32>
    %add3A_9 = arith.constant 1.000000e+00 : f32
    %add3A_10 = vector.broadcast %add3A_9 : f32 to vector<1000x1xf32>
    %add3A_11 = arith.addf %add3A, %add3A_10 : vector<1000x1xf32>
    %rsqrt3A = math.rsqrt %add3A_11 : vector<1000x1xf32>
    %get3A_12 = arith.constant 0 : index
    %get3A_13 = arith.constant 0 : index
    %get3A_14 = vector.load %arg3[%get3A_12, %get3A_13] : memref<1000x128xf32, #tpu.memory_space<vmem>>, vector<1000x128xf32>
    %get3A_15 = arith.constant 0 : index
    %get3A_16 = arith.constant 0 : index
    %get3A_17 = vector.load %arg4[%get3A_15, %get3A_16] : memref<128x128xf32, #tpu.memory_space<vmem>>, vector<128x128xf32>
    %dot_general3A = arith.constant dense<0.000000e+00> : vector<1000x128xf32>
    %dot_general3A_18 = tpu.matmul %get3A_14, %get3A_17, %dot_general3A {dimension_numbers = #tpu.dot_dimension_numbers<[1], [0], [0], [1], [0, 0, 1, 1], [], []>, transpose_lhs_hint = false} : vector<1000x128xf32>, vector<128x128xf32>, vector<1000x128xf32> -> vector<1000x128xf32>
    %mul3A = vector.broadcast %rsqrt3A : vector<1000x1xf32> to vector<1000x128xf32>
    %mul3A_19 = arith.mulf %dot_general3A_18, %mul3A : vector<1000x128xf32>
    %swap3A = arith.constant 0 : index
    %swap3A_20 = arith.constant 0 : index
    %swap3A_21 = vector.load %arg5[%swap3A, %swap3A_20] : memref<1000x128xf32, #tpu.memory_space<vmem>>, vector<1000x128xf32>
    tpu.vector_store %arg5[%swap3A, %swap3A_20], %mul3A_19 {strides = array<i32>} : memref<1000x128xf32, #tpu.memory_space<vmem>>, vector<1000x128xf32>,
    return
  }
  func.func @transform_0(%arg0: i32) -> (i32, i32, i32) {
    %c0_i32 = arith.constant 0 : i32
    %c0_i32_0 = arith.constant 0 : i32
    %c0_i32_1 = arith.constant 0 : i32
    return %arg0, %c0_i32, %c0_i32_0 : i32, i32, i32
  }
  func.func @transform_1(%arg0: i32) -> (i32, i32, i32) {
    %c0_i32 = arith.constant 0 : i32
    %c0_i32_0 = arith.constant 0 : i32
    %c0_i32_1 = arith.constant 0 : i32
    return %arg0, %c0_i32, %c0_i32_0 : i32, i32, i32
  }
  func.func @transform_2(%arg0: i32) -> (i32, i32) {
    %c0_i32 = arith.constant 0 : i32
    %c0_i32_0 = arith.constant 0 : i32
    return %arg0, %c0_i32 : i32, i32
  }
  func.func @transform_3(%arg0: i32) -> (i32, i32) {
    %c0_i32 = arith.constant 0 : i32
    %c0_i32_0 = arith.constant 0 : i32
    %c0_i32_1 = arith.constant 0 : i32
    return %c0_i32, %c0_i32_0 : i32, i32
  }
  func.func @transform_4(%arg0: i32) -> (i32, i32) {
    %c0_i32 = arith.constant 0 : i32
    %c0_i32_0 = arith.constant 0 : i32
    return %arg0, %c0_i32 : i32, i32
  }
}

module attributes {stable_mosaic.version = 14 : i64} {
  func.func @_fin_body(%arg0: i32, %arg1: memref<1x1000x128xf32, #tpu.memory_space<vmem>>, %arg2: memref<1x1000x128xf32, #tpu.memory_space<vmem>>, %arg3: memref<1000x128xf32, #tpu.memory_space<vmem>>, %arg4: memref<1x1000x1xf32, #tpu.memory_space<vmem>>, %arg5: memref<1x1000x1xf32, #tpu.memory_space<vmem>>, %arg6: memref<1x128xf32, #tpu.memory_space<vmem>>, %arg7: memref<1x128xf32, #tpu.memory_space<vmem>>, %arg8: memref<1x128xf32, #tpu.memory_space<vmem>>, %arg9: memref<1000x128xf32, #tpu.memory_space<vmem>>) attributes {dimension_semantics = [#tpu.dimension_semantics<arbitrary>], iteration_bounds = array<i64: 10>, scalar_prefetch = 0 : i64, scratch_operands = 0 : i64, tpu.core_type = #tpu.core_type<tc>, window_params = [{transform_indices = @transform_0, window_bounds = array<i64: 1, 1000, 128>}, {transform_indices = @transform_1, window_bounds = array<i64: 1, 1000, 128>}, {transform_indices = @transform_2, window_bounds = array<i64: 1000, 128>}, {transform_indices = @transform_3, window_bounds = array<i64: 1, 1000, 1>}, {transform_indices = @transform_4, window_bounds = array<i64: 1, 1000, 1>}, {pipeline_mode = #tpu.pipeline_mode<synchronous>, transform_indices = @transform_5, window_bounds = array<i64: 1, 128>}, {pipeline_mode = #tpu.pipeline_mode<synchronous>, transform_indices = @transform_6, window_bounds = array<i64: 1, 128>}, {pipeline_mode = #tpu.pipeline_mode<synchronous>, transform_indices = @transform_7, window_bounds = array<i64: 1, 128>}, {transform_indices = @transform_8, window_bounds = array<i64: 1000, 128>}]} {
    %get3A = arith.constant 0 : index
    %get3A_0 = arith.constant 0 : index
    %get3A_1 = arith.constant 0 : index
    %get3A_2 = vector.load %arg4[%get3A, %get3A_0, %get3A_1] : memref<1x1000x1xf32, #tpu.memory_space<vmem>>, vector<1x1000x1xf32>
    %get3A_3 = vector.shape_cast %get3A_2 : vector<1x1000x1xf32> to vector<1000x1xf32>
    %get3A_4 = arith.constant 0 : index
    %get3A_5 = arith.constant 0 : index
    %get3A_6 = arith.constant 0 : index
    %get3A_7 = vector.load %arg5[%get3A_4, %get3A_5, %get3A_6] : memref<1x1000x1xf32, #tpu.memory_space<vmem>>, vector<1x1000x1xf32>
    %get3A_8 = vector.shape_cast %get3A_7 : vector<1x1000x1xf32> to vector<1000x1xf32>
    %add3A = arith.addf %get3A_3, %get3A_8 : vector<1000x1xf32>
    %add3A_9 = arith.constant 1.000000e+00 : f32
    %add3A_10 = vector.broadcast %add3A_9 : f32 to vector<1000x1xf32>
    %add3A_11 = arith.addf %add3A, %add3A_10 : vector<1000x1xf32>
    %rsqrt3A = math.rsqrt %add3A_11 : vector<1000x1xf32>
    %get3A_12 = arith.constant 0 : index
    %get3A_13 = arith.constant 0 : index
    %get3A_14 = arith.constant 0 : index
    %get3A_15 = vector.load %arg1[%get3A_12, %get3A_13, %get3A_14] : memref<1x1000x128xf32, #tpu.memory_space<vmem>>, vector<1x1000x128xf32>
    %get3A_16 = vector.shape_cast %get3A_15 : vector<1x1000x128xf32> to vector<1000x128xf32>
    %get3A_17 = arith.constant 0 : index
    %get3A_18 = arith.constant 0 : index
    %get3A_19 = arith.constant 0 : index
    %get3A_20 = vector.load %arg2[%get3A_17, %get3A_18, %get3A_19] : memref<1x1000x128xf32, #tpu.memory_space<vmem>>, vector<1x1000x128xf32>
    %get3A_21 = vector.shape_cast %get3A_20 : vector<1x1000x128xf32> to vector<1000x128xf32>
    %add3A_22 = arith.addf %get3A_16, %get3A_21 : vector<1000x128xf32>
    %get3A_23 = arith.constant 0 : index
    %get3A_24 = arith.constant 0 : index
    %get3A_25 = vector.load %arg3[%get3A_23, %get3A_24] : memref<1000x128xf32, #tpu.memory_space<vmem>>, vector<1000x128xf32>
    %add3A_26 = arith.addf %add3A_22, %get3A_25 : vector<1000x128xf32>
    %mul3A = vector.broadcast %rsqrt3A : vector<1000x1xf32> to vector<1000x128xf32>
    %mul3A_27 = arith.mulf %add3A_26, %mul3A : vector<1000x128xf32>
    %get3A_28 = arith.constant 0 : index
    %get3A_29 = arith.constant 0 : index
    %get3A_30 = vector.load %arg6[%get3A_28, %get3A_29] : memref<1x128xf32, #tpu.memory_space<vmem>>, vector<1x128xf32>
    %add3A_31 = vector.broadcast %get3A_30 : vector<1x128xf32> to vector<1000x128xf32>
    %add3A_32 = arith.addf %mul3A_27, %add3A_31 : vector<1000x128xf32>
    %reduce_sum3A = arith.constant dense<0.000000e+00> : vector<1000xf32>
    %reduce_sum3A_33 = vector.multi_reduction <add>, %add3A_32, %reduce_sum3A [1] : vector<1000x128xf32> to vector<1000xf32>
    %broadcast_in_dim3A = vector.shape_cast %reduce_sum3A_33 : vector<1000xf32> to vector<1000x1xf32>
    %div3A = arith.constant 1.280000e+02 : f32
    %div3A_34 = vector.broadcast %div3A : f32 to vector<1000x1xf32>
    %div3A_35 = arith.divf %broadcast_in_dim3A, %div3A_34 : vector<1000x1xf32>
    %sub3A = vector.broadcast %div3A_35 : vector<1000x1xf32> to vector<1000x128xf32>
    %sub3A_36 = arith.subf %add3A_32, %sub3A : vector<1000x128xf32>
    %mul3A_37 = arith.mulf %sub3A_36, %sub3A_36 : vector<1000x128xf32>
    %reduce_sum3A_38 = arith.constant dense<0.000000e+00> : vector<1000xf32>
    %reduce_sum3A_39 = vector.multi_reduction <add>, %mul3A_37, %reduce_sum3A_38 [1] : vector<1000x128xf32> to vector<1000xf32>
    %broadcast_in_dim3A_40 = vector.shape_cast %reduce_sum3A_39 : vector<1000xf32> to vector<1000x1xf32>
    %div3A_41 = arith.constant 1.280000e+02 : f32
    %div3A_42 = vector.broadcast %div3A_41 : f32 to vector<1000x1xf32>
    %div3A_43 = arith.divf %broadcast_in_dim3A_40, %div3A_42 : vector<1000x1xf32>
    %add3A_44 = arith.constant 9.99999974E-6 : f32
    %add3A_45 = vector.broadcast %add3A_44 : f32 to vector<1000x1xf32>
    %add3A_46 = arith.addf %div3A_43, %add3A_45 : vector<1000x1xf32>
    %rsqrt3A_47 = math.rsqrt %add3A_46 : vector<1000x1xf32>
    %mul3A_48 = vector.broadcast %rsqrt3A_47 : vector<1000x1xf32> to vector<1000x128xf32>
    %mul3A_49 = arith.mulf %sub3A_36, %mul3A_48 : vector<1000x128xf32>
    %get3A_50 = arith.constant 0 : index
    %get3A_51 = arith.constant 0 : index
    %get3A_52 = vector.load %arg7[%get3A_50, %get3A_51] : memref<1x128xf32, #tpu.memory_space<vmem>>, vector<1x128xf32>
    %mul3A_53 = vector.broadcast %get3A_52 : vector<1x128xf32> to vector<1000x128xf32>
    %mul3A_54 = arith.mulf %mul3A_49, %mul3A_53 : vector<1000x128xf32>
    %get3A_55 = arith.constant 0 : index
    %get3A_56 = arith.constant 0 : index
    %get3A_57 = vector.load %arg8[%get3A_55, %get3A_56] : memref<1x128xf32, #tpu.memory_space<vmem>>, vector<1x128xf32>
    %add3A_58 = vector.broadcast %get3A_57 : vector<1x128xf32> to vector<1000x128xf32>
    %add3A_59 = arith.addf %mul3A_54, %add3A_58 : vector<1000x128xf32>
    %max3A = arith.constant 0.000000e+00 : f32
    %max3A_60 = vector.broadcast %max3A : f32 to vector<1000x128xf32>
    %max3A_61 = arith.maximumf %add3A_59, %max3A_60 : vector<1000x128xf32>
    %swap3A = arith.constant 0 : index
    %swap3A_62 = arith.constant 0 : index
    %swap3A_63 = vector.load %arg9[%swap3A, %swap3A_62] : memref<1000x128xf32, #tpu.memory_space<vmem>>, vector<1000x128xf32>
    tpu.vector_store %arg9[%swap3A, %swap3A_62], %max3A_61 {strides = array<i32>} : memref<1000x128xf32, #tpu.memory_space<vmem>>, vector<1000x128xf32>,
    return
  }
  func.func @transform_0(%arg0: i32) -> (i32, i32, i32) {
    %c0_i32 = arith.constant 0 : i32
    %c0_i32_0 = arith.constant 0 : i32
    %c0_i32_1 = arith.constant 0 : i32
    return %c0_i32, %arg0, %c0_i32_0 : i32, i32, i32
  }
  func.func @transform_1(%arg0: i32) -> (i32, i32, i32) {
    %c1_i32 = arith.constant 1 : i32
    %c0_i32 = arith.constant 0 : i32
    %c0_i32_0 = arith.constant 0 : i32
    return %c1_i32, %arg0, %c0_i32 : i32, i32, i32
  }
  func.func @transform_2(%arg0: i32) -> (i32, i32) {
    %c0_i32 = arith.constant 0 : i32
    %c0_i32_0 = arith.constant 0 : i32
    return %arg0, %c0_i32 : i32, i32
  }
  func.func @transform_3(%arg0: i32) -> (i32, i32, i32) {
    %c0_i32 = arith.constant 0 : i32
    %c0_i32_0 = arith.constant 0 : i32
    %c0_i32_1 = arith.constant 0 : i32
    return %arg0, %c0_i32, %c0_i32_0 : i32, i32, i32
  }
  func.func @transform_4(%arg0: i32) -> (i32, i32, i32) {
    %c0_i32 = arith.constant 0 : i32
    %c0_i32_0 = arith.constant 0 : i32
    %c0_i32_1 = arith.constant 0 : i32
    return %arg0, %c0_i32, %c0_i32_0 : i32, i32, i32
  }
  func.func @transform_5(%arg0: i32) -> (i32, i32) {
    %c0_i32 = arith.constant 0 : i32
    %c0_i32_0 = arith.constant 0 : i32
    %c0_i32_1 = arith.constant 0 : i32
    return %c0_i32, %c0_i32_0 : i32, i32
  }
  func.func @transform_6(%arg0: i32) -> (i32, i32) {
    %c0_i32 = arith.constant 0 : i32
    %c0_i32_0 = arith.constant 0 : i32
    %c0_i32_1 = arith.constant 0 : i32
    return %c0_i32, %c0_i32_0 : i32, i32
  }
  func.func @transform_7(%arg0: i32) -> (i32, i32) {
    %c0_i32 = arith.constant 0 : i32
    %c0_i32_0 = arith.constant 0 : i32
    %c0_i32_1 = arith.constant 0 : i32
    return %c0_i32, %c0_i32_0 : i32, i32
  }
  func.func @transform_8(%arg0: i32) -> (i32, i32) {
    %c0_i32 = arith.constant 0 : i32
    %c0_i32_0 = arith.constant 0 : i32
    return %arg0, %c0_i32 : i32, i32
  }
}

</mosaic_0001>

<sc_bundles>
// kernel: kernel.6.cloned.1.call-start
scs
__scs_entry_jumppad:
0x0: {  	(pc) =	sbr.rel $0x88, $3  }
0x1: {  	(tag) =	ssettag $0x0;
	lr =	simm.s32 $0x1  }
0x2: {  	[smem:$0x3F9B] =	sst lr;
	_ =	strace $0xD0000000  }
0x3: {  	_ = 	snop  }
0x4: {  	_ = 	snop  }
0x5: {  	_ = 	snop  }
0x6: {  	_ = 	snop  }
0x7: {  	_ = 	snop  }
__scs_overlays_trampoline_lowered:
0x8: {  	[smem:$0x3FAA] =	sst s0  }
0x9: {  	[smem:$0x3FAB] =	sst s1  }
0xa: {  	[smem:$0x3FAC] =	sst s2  }
0xb: {  	[smem:$0x3FAD] =	sst s3  }
0xc: {  	[smem:$0x3FAE] =	sst s4  }
0xd: {  	[smem:$0x3FAF] =	sst s5  }
0xe: {  	[smem:$0x3FB0] =	sst s6  }
0xf: {  	[smem:$0x3FB1] =	sst s7  }
0x10: {  	[smem:$0x3FB2] =	sst s8  }
0x11: {  	[smem:$0x3FB3] =	sst s9;
	s0 =	simm.s32 @!p0 $0x0  }
0x12: {  	s1 =	sld [smem:$0x3F99];
	s0 =	simm.s32 @p0 $0x1  }
0x13: {  	[smem:$0x3FB4] =	sst s0;
	s0 =	simm.s32 @!p1 $0x0  }
0x14: {  	s2 =	sld [smem:$0x3F98];
	s0 =	simm.s32 @p1 $0x1  }
0x15: {  	[smem:$0x3FB5] =	sst s0;
	s0 =	simm.s32 @!p2 $0x0  }
0x16: {  	s3 =	sld [smem:$0x3FDB];
	s0 =	simm.s32 @p2 $0x1  }
0x17: {  	s4 =	simm.s32 $0x1BF5;
	[smem:$0x3FB7] =	sst s0  }
0x18: {  	s0 =	sld [smem:$0x3F9A];
	_ =	swait.ge [sflag:s4], $0x0  }
0x19: {  	s7 =	sld [smem:$0x3F9B]  }
0x1a: {  	s8 =	sadd.s32 $0xFFFFE003, lr  }
0x1b: {  	s9 =	sadd.s32 $0xFFFFFEF7, lr;
	s5 =	simm.s32 $0xFFFFFFFF;
	p2 =	slt.u32 s8, $0xFFFFF086  }
0x1c: {  	p1 =	slt.u32 s9, $0xF7A;
	s5 =	simm.s32 @!p2 $0x0  }
0x1d: {  	s5 =	simm.s32 @p1 $0x1;
	p0 =	seq.s32 s7, s2  }
0x1e: {  	s7 =	smul.u32 @!p0 $0xF7A, s2;
	p2 =	seq.s32 @!p0 s5, $0x0  }
0x1f: {  	s9 =	smul.u32 $0xF7A, s1;
	s8 =	simm.s32 @!p0 $0x1BF5;
	p2 =	por !p2, p0  }
0x20: {  	[sflag:s8] =	ssyncset.s32 @!p0 $0xFFFFF086;
	s6 =	sadd.s32 @!p0 s3, s7;
	s7 =	simm.s32 @!p0 $0x108  }
0x21: {  	s3 =	sadd.s32 s3, s9;
	s6 =	sadd.s32 @!p0 $0x88, s6;
	s7 =	simm.s32 @p2 $0x1082  }
0x22: {  	[simem:s7], [sflag:s8] =	dma.local @!p0 [hbm:s6], $0xF7A  }
0x23: {  	s9 =	sor.u32 $0xD0000000, s2;
	s6 =	simm.s32 $0x108;
	_ =	swait.ge @!p0 [sflag:s8], $0x0  }
0x24: {  	s3 =	sadd.s32 $0x88, s3;
	s6 =	simm.s32 @!p1 $0x1082;
	[sflag:s4] =	ssyncset.s32 $0xFFFFF086  }
0x25: {  	[simem:s6], [sflag:s4] =	dma.local [hbm:s3], $0xF7A  }
0x26: {  	[smem:$0x3F9B] =	sst s1;
	(tag) =	ssettag s2;
	_ =	strace s9  }
0x27: {  	s1 =	sld [smem:$0x3FAB]  }
0x28: {  	s2 =	sld [smem:$0x3FAC]  }
0x29: {  	s4 =	sld [smem:$0x3FAE]  }
0x2a: {  	p0 =	seq.s32 s5, $0x0;
	s5 =	sld [smem:$0x3FAF]  }
0x2b: {  	s6 =	sld [smem:$0x3FB0]  }
0x2c: {  	s7 =	sld [smem:$0x3FB1]  }
0x2d: {  	s3 =	simm.s32 $0x108;
	s8 =	sld [smem:$0x3FB2]  }
0x2e: {  	s3 =	simm.s32 @!p0 $0x1082;
	s9 =	sld [smem:$0x3FB3]  }
0x2f: {  	lr =	sadd.s32 s0, s3;
	s0 =	sld [smem:$0x3FAA]  }
0x30: {  	s3 =	sld [smem:$0x3FAD]  }
0x31: {  	[smem:$0x3FB6] =	sst s10  }
0x32: {  	s10 =	sld [smem:$0x3FB4];
	_ =	sdelay $0x3  }
0x33: {  	p0 =	seq.s32 s10, $0x1;
	s10 =	sld [smem:$0x3FB6];
	_ =	sdelay $0x3  }
0x34: {  	[smem:$0x3FB6] =	sst s10  }
0x35: {  	s10 =	sld [smem:$0x3FB5];
	_ =	sdelay $0x3  }
0x36: {  	p1 =	seq.s32 s10, $0x1;
	s10 =	sld [smem:$0x3FB6];
	_ =	sdelay $0x3  }
0x37: {  	[smem:$0x3FB6] =	sst s10  }
0x38: {  	s10 =	sld [smem:$0x3FB7]  }
0x39: {  	_ = 	snop;
	(pc) =	sbr.ind lr, $3  }
0x3a: {  	_ = 	snop  }
0x3b: {  	_ = 	snop  }
0x3c: {  	p2 =	seq.s32 s10, $0x1;
	s10 =	sld [smem:$0x3FB6]  }
0x3d: {  	_ =	shalt  }
0x3e: {  	_ =	shalt  }
0x3f: {  	_ =	shalt  }
0x40: {  	_ =	shalt  }
0x41: {  	_ =	shalt  }
0x42: {  	_ =	shalt  }
0x43: {  	_ =	shalt  }
0x44: {  	_ =	shalt  }
0x45: {  	_ =	shalt  }
0x46: {  	_ =	shalt  }
0x47: {  	_ =	shalt  }
0x48: {  	_ =	shalt  }
0x49: {  	_ =	shalt  }
0x4a: {  	_ =	shalt  }
0x4b: {  	_ =	shalt  }
0x4c: {  	_ =	shalt  }
0x4d: {  	_ =	shalt  }
0x4e: {  	_ =	shalt  }
0x4f: {  	_ =	shalt  }
0x50: {  	_ =	shalt  }
0x51: {  	_ =	shalt  }
0x52: {  	_ =	shalt  }
0x53: {  	_ =	shalt  }
0x54: {  	_ =	shalt  }
0x55: {  	_ =	shalt  }
0x56: {  	_ =	shalt  }
0x57: {  	_ =	shalt  }
0x58: {  	_ =	shalt  }
0x59: {  	_ =	shalt  }
0x5a: {  	_ =	shalt  }
0x5b: {  	_ =	shalt  }
0x5c: {  	_ =	shalt  }
0x5d: {  	_ =	shalt  }
0x5e: {  	_ =	shalt  }
0x5f: {  	_ =	shalt  }
0x60: {  	_ =	shalt  }
0x61: {  	_ =	shalt  }
0x62: {  	_ =	shalt  }
0x63: {  	_ =	shalt  }
0x64: {  	_ =	shalt  }
0x65: {  	_ =	shalt  }
0x66: {  	_ =	shalt  }
0x67: {  	_ =	shalt  }
0x68: {  	_ =	shalt  }
0x69: {  	_ =	shalt  }
0x6a: {  	_ =	shalt  }
0x6b: {  	_ =	shalt  }
0x6c: {  	_ =	shalt  }
0x6d: {  	_ =	shalt  }
0x6e: {  	_ =	shalt  }
0x6f: {  	_ =	shalt  }
0x70: {  	_ =	shalt  }
0x71: {  	_ =	shalt  }
0x72: {  	_ =	shalt  }
0x73: {  	_ =	shalt  }
0x74: {  	_ =	shalt  }
0x75: {  	_ =	shalt  }
0x76: {  	_ =	shalt  }
0x77: {  	_ =	shalt  }
0x78: {  	_ =	shalt  }
0x79: {  	_ =	shalt  }
0x7a: {  	_ =	shalt  }
0x7b: {  	_ =	shalt  }
0x7c: {  	_ =	shalt  }
0x7d: {  	_ =	shalt  }
0x7e: {  	_ =	shalt  }
0x7f: {  	_ =	shalt  }
0x80: {  	_ =	shalt  }
0x81: {  	_ =	shalt  }
0x82: {  	_ =	shalt  }
0x83: {  	_ =	shalt  }
0x84: {  	_ =	shalt  }
0x85: {  	_ =	shalt  }
0x86: {  	_ =	shalt  }
0x87: {  	_ =	shalt  }
.Lfunc_end0:
.L_simem_size_0:
called_computation_lowered:
.L_overlay_start_0:
0x88: {  	s2 =	sld [smem:$0x3FD9]  }
0x89: {  	s3 =	sld [smem:$0x3FFE];
	_ =	sdelay $0x1  }
0x8a: {  	s1 =	srdreg.scid  }
0x8b: {  	s0 =	sand.u32 $0x1, s1  }
0x8c: {  	s17 =	sshll.u32 s0, $0xA;
	s2 =	sadd.s32 s3, s2  }
0x8d: {  	s2 =	sadd.s32 s2, s17  }
0x8e: {  	[smem:$0x3FC2] =	sst s2  }
0x8f: {  	_ = 	snop  }
0x90: {  	s2 =	sld [smem:$0x3FD0];
	(tm) =	ssettm $0x1  }
0x91: {  	s18 =	sld [smem:$0x3FFB];
	_ =	sdelay $0x3  }
0x92: {  	_ =	strace s18  }
0x93: {  	s3 =	sld [smem:$0x3FFC];
	_ =	sdelay $0x3  }
0x94: {  	_ =	strace s3  }
0x95: {  	s3 =	sld [smem:$0x3FFD];
	_ =	sdelay $0x3  }
0x96: {  	_ =	strace s3  }
0x97: {  	_ =	strace $0x8FFFFFFF  }
0x98: {  	s19 =	sld [smem:$0x3FDB];
	_ =	sdelay $0x1  }
0x99: {  	s4 =	simm.s32 $_scs_section_size  }
0x9a: {  	s5 =	simm.s32 $_size__tile_overlayer_lowered;
	s6 =	simm.s32 $_tile_overlayer_lowered  }
0x9b: {  	s22 =	simm.s32 $0x1BFF;
	s21 =	sshll.u32 s6, $0x1;
	s3 =	sadd.s32 s4, s19  }
0x9c: {  	s7 =	simm.s32 $0x0;
	s20 =	sshll.u32 s5, $0x1;
	s5 =	sadd.s32 s21, s3  }
0x9d: {  	[timem:s7], [sflag:s22] =	dma.local [hbm:s5], s20  }
0x9e: {  	_ =	swait.ge [sflag:s22], s20  }
0x9f: {  	s4 =	ssub.s32 $0x0, s20;
	[sflag:s22] =	ssyncset.done $0x0  }
0xa0: {  	[sflag:s22] =	ssyncadd.s32 s4;
	_ =	sdelay $0x1  }
0xa1: {  	s23 =	simm.s32 $0x1B8B  }
0xa2: {  	_ =	swait.ge [sflag:s23], $0x1  }
0xa3: {  	[sflag:s23] =	ssyncset.done $0x0  }
0xa4: {  	s25 =	simm.s32 $0x1B8E;
	s24 =	sld [smem:$0x3FFE];
	[sflag:s23] =	ssyncadd.s32 $0xFFFFFFFF  }
0xa5: {  	s26 =	simm.s32 $execute0_lowered;
	[smem:$0x3FD2] =	sst s25  }
0xa6: {  	s5 =	sshll.u32 s26, $0x1;
	_ =	strace $0x80000046;
	[dreg:$0x1] =	wrdreg $0xFFFFFFFF  }
0xa7: {  	s28 =	simm.s32 $_size_execute0_lowered;
	s3 =	sadd.s32 s3, s5;
	[dreg:$0x0] =	wrdreg $0x0  }
0xa8: {  	s5 =	sshll.u32 s28, $0x1;
	[dreg:$0x2] =	wrdreg s3  }
0xa9: {  	[dreg:$0x3] =	wrdreg s5  }
0xaa: {  	[dreg:$0x4] =	wrdreg $0xC0  }
0xab: {  	_ =	task [dreg:s7], $0x5FFFF  }
0xac: {  	[dreg:$0x1] =	wrdreg $0xFFFFFFFF  }
0xad: {  	[dreg:$0x0] =	wrdreg $0x60  }
0xae: {  	[dreg:$0x2] =	wrdreg s24  }
0xaf: {  	[dreg:$0x3] =	wrdreg s2  }
0xb0: {  	[dreg:$0x4] =	wrdreg $0x7A800  }
0xb1: {  	[dreg:$0x5] =	wrdreg $0x9  }
0xb2: {  	_ =	task.clear_ibuf [dreg:s7], $0x6FFFF;
	_ =	strace $0x90000046  }
0xb3: {  	s29 =	simm.s32 $0x9;
	_ =	strace $0x80000048  }
0xb4: {  	_ =	swait.ge [sflag:s29], $0x1  }
0xb5: {  	[sflag:s29] =	ssyncadd.s32 $0xFFFFFFFF  }
0xb6: {  	_ =	strace $0x90000048  }
0xb7: {  	_ =	sfence  }
0xb8: {  	s30 =	sld [smem:$0x0];
	_ =	sdelay $0x2  }
0xb9: {  	s31 =	sshll.u32 s1, $0xD;
	s1 =	sshrl.u32 s1, $0x2  }
0xba: {  	s3 =	sand.u32 $0x4000, s31;
	s1 =	sadd.s32 s1, s30  }
0xbb: {  	s0 =	sor.u32 s3, s0;
	s1 =	sshll.u32 s1, $0x11  }
0xbc: {  	s0 =	sor.u32 s1, s0  }
0xbd: {  	s0 =	sadd.s32 $0x8F2B, s0  }
0xbe: {  	[sflag:s0] =	ssyncadd.remote.s32 $0x1  }
0xbf: {  	_ =	sfence.sel $0xFFFF  }
0xc0: {  	[dreg:$0x0] =	wrdreg $0xFFFFFFFF;
	(pc) =	sbr.abs _section_cstart, $3  }
0xc1: {  	[dreg:$0x1] =	wrdreg $0xFFFFFFFF  }
0xc2: {  	_ =	task.clear_ibuf [dreg:s7], $0x2FFFF;
	_ =	strace $0x9FFFFFFF  }
0xc3: {  	(tm) =	ssettm $0x7FFFFFFF  }
tec
execute0_lowered:
.L_overlay_start_1:
0x0: {  	(tag) =	ssettag $0x1  }
0x1: {  	s3 =	rddreg [dreg:$0x0]  }
0x2: {  	s0 =	srdreg.scid;
	s6 =	rddreg [dreg:$0x1]  }
0x3: {  	s5 =	rddreg [dreg:$0x2];
	s1 =	stileid.u32;
	s2 =	simm.s32 $0x0  }
0x4: {  	s12 =	simm.s32 $0x14000;
	s13 =	simm.s32 $0x5000;
	s16 =	simm.s32 $0x7800  }
0x5: {  	s17 =	simm.s32 $0x0;
	s4 =	sand.u32 $0x1, s0;
	s0 =	rddreg [dreg:$0x3]  }
0x6: {  	s9 =	sshrl.u32 s1, $0x3;
	[smem:$0x7FF] =	sst s2;
	s11 =	smul.u32 $0x5000, s1  }
0x7: {  	s10 =	sshll.u32 s1, $0x7;
	s15 =	smul.u32 $0xA0, s1;
	s7 =	sshll.u32 s4, $0x4  }
0x8: {  	s4 =	ssub.s32 $0x2, s4;
	s9 =	smul.u32 $0x50000, s9;
	_ =	strace $0x80000047  }
0x9: {  	s30 =	sand.u32 $0x380, s10;
	s10 =	simm.s32 $0x400;
	s8 =	sor.u32 s1, s7  }
0xa: {  	s29 =	sshrl.u32 s4, $0x1;
	s31 =	sshrl.u32 s11, $0x2;
	s14 =	sadd.s32 s6, s7  }
0xb: {  	s7 =	simm.s32 $0x1;
	s11 =	simm.s32 $0x1400;
	s8 =	smul.u32 $0x500, s8  }
0xc: {  	s9 =	sshrl.u32 s9, $0x2;
	s14 =	sadd.s32 s15, s14;
	s15 =	simm.s32 $0x100  }
0xd: {  	s9 =	sadd.s32 s9, s5;
	s5 =	sadd.s32 s31, s5;
	s3 =	sadd.s32 s8, s3  }
0xe: {  	s8 =	ssub.s32 s4, s29;
	s4 =	sadd.s32 s30, s9;
	s9 =	simm.s32 $0x80  }
0xf: {  	v0 =	vimm.f32 $0.0e+00;
	v1 =	vimm.f32 $1.000000000e+00;
	s3 =	sadd.s32 $0xB200, s3;
	s6 =	smax.u32 s8, $0x1;
	s8 =	simm.s32 $0x2800  }
.LBB2_1:
0x10: {  	[tilespmem:s2], [sflag:$0x1] =	stream.linear.gather [hbm4b:s3+s2], $0x2800, $0x38;
	[tilespmem:$0xA280] =	vst v63  }
0x11: {  	_ =	swait.ge [sflag:s7], $0x2800  }
0x12: {  	[sflag:s7] =	ssyncset.done $0x0  }
0x13: {  	s18 =	simm.s32 $0x0;
	[sflag:s7] =	ssyncadd.s32 $0xFFFFD800  }
.LBB2_2:
0x14: {  	p0 =	sne.s32 s18, $0x9FC0  }
.Ltmp0:
0x15: {  	_ = 	snop;
	(pc) =	sbr.rel @p0 .LBB2_2-.Ltmp0, $3  }
0x16: {  	_ =	sdelay $0x1  }
0x17: {  	s19 =	sshra.s32 s18, $0x2  }
0x18: {  	s18 =	sadd.s32 $0x40, s18;
	[tilespmem:s19+$0x2800] =	vst v0  }
0x19: {  	s18 =	simm.s32 $0x0  }
.LBB2_4:
0x1a: {  	s19 =	sshra.s32 s18, $0x2  }
0x1b: {  	v2 =	vld [tilespmem:s19+$0x0];
	_ =	sdelay $0x7  }
0x1c: {  	[tilespmem:v2+s8+$0x0] =	vst.idx.add.f32.msk $0xffff, v1  }
0x1d: {  	v2 =	vld [tilespmem:s19+$0x10];
	_ =	sdelay $0x7  }
0x1e: {  	[tilespmem:v2+s8+$0x0] =	vst.idx.add.f32.msk $0xffff, v1  }
0x1f: {  	v2 =	vld [tilespmem:s19+$0x20];
	_ =	sdelay $0x7  }
0x20: {  	[tilespmem:v2+s8+$0x0] =	vst.idx.add.f32.msk $0xffff, v1  }
0x21: {  	v2 =	vld [tilespmem:s19+$0x30];
	_ =	sdelay $0x7  }
0x22: {  	[tilespmem:v2+s8+$0x0] =	vst.idx.add.f32.msk $0xffff, v1  }
0x23: {  	v2 =	vld [tilespmem:s19+$0x40];
	_ =	sdelay $0x7  }
0x24: {  	[tilespmem:v2+s8+$0x0] =	vst.idx.add.f32.msk $0xffff, v1  }
0x25: {  	v2 =	vld [tilespmem:s19+$0x50];
	_ =	sdelay $0x7  }
0x26: {  	[tilespmem:v2+s8+$0x0] =	vst.idx.add.f32.msk $0xffff, v1  }
0x27: {  	v2 =	vld [tilespmem:s19+$0x60];
	_ =	sdelay $0x7  }
0x28: {  	[tilespmem:v2+s8+$0x0] =	vst.idx.add.f32.msk $0xffff, v1  }
0x29: {  	v2 =	vld [tilespmem:s19+$0x70];
	_ =	sdelay $0x2  }
0x2a: {  	p0 =	sne.s32 s18, $0x9E00  }
.Ltmp1:
0x2b: {  	_ = 	snop;
	(pc) =	sbr.rel @p0 .LBB2_4-.Ltmp1, $2  }
0x2c: {  	_ =	sdelay $0x2  }
0x2d: {  	s18 =	sadd.s32 $0x200, s18;
	[tilespmem:v2+s8+$0x0] =	vst.idx.add.f32.msk $0xffff, v1  }
0x2e: {  	[spmem:s4] =	stream.strided.scatter [tilespmem:s8], [sflag:$0x1], $0x2800, s10, s9, $0x38;
	[tilespmem:$0xA280] =	vst v63  }
0x2f: {  	_ =	swait.ge [sflag:s7], $0x2800  }
0x30: {  	[sflag:s7] =	ssyncset.done $0x0  }
0x31: {  	[sflag:s7] =	ssyncadd.s32 $0xFFFFD800  }
0x32: {  	[bflag:$0x0] =	sbarrier.arrive $0xFFFF  }
0x33: {  	[tilespmem:s13], [sflag:$0x1] =	stream.strided.gather [spmem:s5], $0x2800, s12, s11, $0x38;
	[tilespmem:$0xA280] =	vst v63  }
0x34: {  	s18 =	simm.s32 $0x0;
	_ =	swait.ge [sflag:s7], $0x2800  }
0x35: {  	s19 =	sand.u32 $0x70, s18;
	s18 =	sand.u32 $0x1C00, s18;
	[sflag:s7] =	ssyncset.done $0x0  }
0x36: {  	s18 =	sor.u32 s19, s18;
	[sflag:s7] =	ssyncadd.s32 $0xFFFFD800  }
0x37: {  	v2 =	vld [tilespmem:s18+$0x5080]  }
0x38: {  	v3 =	vld [tilespmem:s18+$0x5000];
	_ =	sdelay $0x1  }
0x39: {  	v4 =	vld [tilespmem:s18+$0x5100];
	_ =	sdelay $0x1  }
0x3a: {  	v5 =	vld [tilespmem:s18+$0x5180]  }
0x3b: {  	v2 =	vadd.f32 v2, v3  }
0x3c: {  	v3 =	vld [tilespmem:s18+$0x5200]  }
0x3d: {  	v2 =	vadd.f32 v4, v2  }
0x3e: {  	v56 =	vld [tilespmem:s18+$0x5280]  }
0x3f: {  	v2 =	vadd.f32 v5, v2  }
0x40: {  	v57 =	vld [tilespmem:s18+$0x5300]  }
0x41: {  	v2 =	vadd.f32 v3, v2  }
0x42: {  	v3 =	vld [tilespmem:s18+$0x5380]  }
0x43: {  	v2 =	vadd.f32 v56, v2  }
0x44: {  	v58 =	vld [tilespmem:s18+$0x6400]  }
0x45: {  	v2 =	vadd.f32 v57, v2  }
0x46: {  	v59 =	vld [tilespmem:s18+$0x6480]  }
0x47: {  	v2 =	vadd.f32 v3, v2  }
0x48: {  	v3 =	vld [tilespmem:s18+$0x6500]  }
0x49: {  	v2 =	vadd.f32 v58, v2  }
0x4a: {  	v60 =	vld [tilespmem:s18+$0x6580]  }
0x4b: {  	v2 =	vadd.f32 v59, v2  }
0x4c: {  	v61 =	vld [tilespmem:s18+$0x6600]  }
0x4d: {  	v2 =	vadd.f32 v3, v2  }
0x4e: {  	v3 =	vld [tilespmem:s18+$0x6680]  }
0x4f: {  	v2 =	vadd.f32 v60, v2  }
0x50: {  	v62 =	vld [tilespmem:s18+$0x6700]  }
0x51: {  	v2 =	vadd.f32 v61, v2  }
0x52: {  	v63 =	vld [tilespmem:s18+$0x6780]  }
0x53: {  	v2 =	vadd.f32 v3, v2;
	_ =	sdelay $0x1  }
0x54: {  	v2 =	vadd.f32 v62, v2;
	_ =	sdelay $0x1  }
0x55: {  	s31 =	simm.s32 $0x10;
	s20 =	simm.s32 $0x80;
	v2 =	vadd.f32 v63, v2  }
0x56: {  	s21 =	sand.u32 $0x1C00, s20;
	s19 =	sand.u32 $0x70, s31;
	s18 =	simm.s32 $0x7800  }
0x57: {  	s19 =	sor.u32 s19, s21;
	s21 =	simm.s32 $0x20;
	[tilespmem:s18+$0x0] =	vst v2  }
.LBB2_6:
0x58: {  	p0 =	sne.s32 s21, $0x270;
	v2 =	vld [tilespmem:s19+$0x5080]  }
0x59: {  	v3 =	vld [tilespmem:s19+$0x5000];
	_ =	sdelay $0x1  }
0x5a: {  	v4 =	vld [tilespmem:s19+$0x5100];
	_ =	sdelay $0x1  }
0x5b: {  	v5 =	vld [tilespmem:s19+$0x5180]  }
0x5c: {  	v2 =	vadd.f32 v2, v3  }
0x5d: {  	v3 =	vld [tilespmem:s19+$0x5200]  }
0x5e: {  	v2 =	vadd.f32 v4, v2  }
0x5f: {  	v4 =	vld [tilespmem:s19+$0x5280]  }
0x60: {  	v2 =	vadd.f32 v5, v2  }
0x61: {  	v5 =	vld [tilespmem:s19+$0x5300]  }
0x62: {  	v2 =	vadd.f32 v3, v2  }
0x63: {  	v3 =	vld [tilespmem:s19+$0x5380]  }
0x64: {  	v2 =	vadd.f32 v4, v2  }
0x65: {  	v4 =	vld [tilespmem:s19+$0x6400]  }
0x66: {  	v2 =	vadd.f32 v5, v2  }
0x67: {  	v5 =	vld [tilespmem:s19+$0x6480]  }
0x68: {  	v2 =	vadd.f32 v3, v2  }
0x69: {  	v3 =	vld [tilespmem:s19+$0x6500]  }
0x6a: {  	v2 =	vadd.f32 v4, v2  }
0x6b: {  	v4 =	vld [tilespmem:s19+$0x6580]  }
0x6c: {  	v2 =	vadd.f32 v5, v2  }
0x6d: {  	v5 =	vld [tilespmem:s19+$0x6600]  }
0x6e: {  	v2 =	vadd.f32 v3, v2  }
0x6f: {  	v3 =	vld [tilespmem:s19+$0x6680]  }
0x70: {  	v2 =	vadd.f32 v4, v2  }
0x71: {  	v4 =	vld [tilespmem:s19+$0x6700]  }
0x72: {  	v2 =	vadd.f32 v5, v2  }
0x73: {  	v5 =	vld [tilespmem:s19+$0x6780]  }
0x74: {  	v2 =	vadd.f32 v3, v2;
	_ =	sdelay $0x1  }
.Ltmp2:
0x75: {  	v2 =	vadd.f32 v4, v2;
	(pc) =	sbr.rel @p0 .LBB2_6-.Ltmp2, $4  }
0x76: {  	_ = 	snop  }
0x77: {  	s20 =	sadd.s32 $0x80, s20;
	v2 =	vadd.f32 v5, v2  }
0x78: {  	s18 =	sadd.s32 $0x10, s18;
	s22 =	sand.u32 $0x1C00, s20;
	s19 =	sand.u32 $0x70, s21  }
0x79: {  	s21 =	sadd.s32 $0x10, s21;
	s19 =	sor.u32 s19, s22;
	[tilespmem:s18+$0x0] =	vst v2  }
0x7a: {  	v2 =	vld [tilespmem:s19+$0x5080]  }
0x7b: {  	v3 =	vld [tilespmem:s19+$0x5000];
	_ =	sdelay $0x1  }
0x7c: {  	v4 =	vld [tilespmem:s19+$0x5100];
	_ =	sdelay $0x1  }
0x7d: {  	v5 =	vld [tilespmem:s19+$0x5180]  }
0x7e: {  	v2 =	vadd.f32 v2, v3  }
0x7f: {  	v3 =	vld [tilespmem:s19+$0x5200]  }
0x80: {  	v2 =	vadd.f32 v4, v2  }
0x81: {  	v56 =	vld [tilespmem:s19+$0x5280]  }
0x82: {  	v2 =	vadd.f32 v5, v2  }
0x83: {  	v57 =	vld [tilespmem:s19+$0x5300]  }
0x84: {  	v2 =	vadd.f32 v3, v2  }
0x85: {  	v3 =	vld [tilespmem:s19+$0x5380]  }
0x86: {  	v2 =	vadd.f32 v56, v2  }
0x87: {  	v58 =	vld [tilespmem:s19+$0x6400]  }
0x88: {  	v2 =	vadd.f32 v57, v2  }
0x89: {  	v59 =	vld [tilespmem:s19+$0x6480]  }
0x8a: {  	v2 =	vadd.f32 v3, v2  }
0x8b: {  	v3 =	vld [tilespmem:s19+$0x6500]  }
0x8c: {  	v2 =	vadd.f32 v58, v2  }
0x8d: {  	v60 =	vld [tilespmem:s19+$0x6580]  }
0x8e: {  	v2 =	vadd.f32 v59, v2  }
0x8f: {  	v61 =	vld [tilespmem:s19+$0x6600]  }
0x90: {  	v2 =	vadd.f32 v3, v2  }
0x91: {  	v3 =	vld [tilespmem:s19+$0x6680]  }
0x92: {  	v2 =	vadd.f32 v60, v2  }
0x93: {  	v62 =	vld [tilespmem:s19+$0x6700]  }
0x94: {  	v2 =	vadd.f32 v61, v2  }
0x95: {  	v63 =	vld [tilespmem:s19+$0x6780]  }
0x96: {  	v2 =	vadd.f32 v3, v2;
	_ =	sdelay $0x1  }
0x97: {  	v2 =	vadd.f32 v62, v2;
	_ =	sdelay $0x1  }
0x98: {  	s17 =	sadd.s32 $0x1, s17;
	v2 =	vadd.f32 v63, v2  }
0x99: {  	s18 =	sadd.s32 $0x10, s18;
	p0 =	sne.s32 s17, s6  }
.Ltmp3:
0x9a: {  	[tilespmem:s18+$0x0] =	vst v2;
	(pc) =	sbr.rel @p0 .LBB2_1-.Ltmp3, $4  }
0x9b: {  	[hbm4b:s14+s9] =	stream.strided.scatter [tilespmem:s16], [sflag:$0x1], $0x280, s15, s9, $0x38;
	[tilespmem:$0xA280] =	vst v63  }
0x9c: {  	_ =	swait.ge [sflag:s7], $0x280  }
0x9d: {  	[sflag:s7] =	ssyncset.done $0x0  }
0x9e: {  	[sflag:s7] =	ssyncadd.s32 $0xFFFFFD80  }
0x9f: {  	_ =	sfence.sel $0x180000  }
0xa0: {  	[bflag:$0x0] =	sbarrier.arrive $0xFFFF  }
0xa1: {  	p0 =	sne.s32 s1, $0x0;
	_ =	strace $0x90000047  }
0xa2: {  	s0 =	sadd.s32 @!p0 $0x100000, s0;
	[bflag:$0x2] =	sbarrier.arrive $0xFFFF  }
0xa3: {  	[sflag:s0] =	ssyncadd.tile.s32 @!p0 $0x1;
	_ =	shalt  }
.Lfunc_end2:
_tile_overlayer_lowered:
.L_overlay_start_2:
0xa4: {  	(tag) =	ssettag $0x2  }
0xa5: {  	s0 =	rddreg [dreg:$0x0];
	s2 =	stileid.u32  }
0xa6: {  	s1 =	rddreg [dreg:$0x1];
	p0 =	sne.s32 s2, $0x0  }
0xa7: {  	s3 =	rddreg [dreg:$0x2];
	[bflag:$0x3] =	sbarrier.arrive $0xFFFF;
	s2 =	simm.s32 @!p0 $0x1C01  }
0xa8: {  	[timem:s3], [sflag:s2] =	dma.local @!p0 [hbm:s0], s1  }
0xa9: {  	s0 =	simm.s32 @!p0 $0x1  }
0xaa: {  	_ =	swait.ge @!p0 [sflag:s0], s1  }
0xab: {  	s1 =	ssub.s32 @!p0 $0x0, s1;
	[sflag:s0] =	ssyncset.done @!p0 $0x0  }
0xac: {  	[sflag:s0] =	ssyncadd.s32 @!p0 s1  }
0xad: {  	[bflag:$0x3] =	sbarrier.arrive $0xFFFF  }
0xae: {  	_ =	shalt  }

// kernel: kernel.9.cloned.1.call-start
scs
__scs_entry_jumppad:
0x0: {  	(pc) =	sbr.rel $0x88, $3  }
0x1: {  	(tag) =	ssettag $0x0;
	lr =	simm.s32 $0x1  }
0x2: {  	[smem:$0x3F9B] =	sst lr;
	_ =	strace $0xD0000000  }
0x3: {  	_ = 	snop  }
0x4: {  	_ = 	snop  }
0x5: {  	_ = 	snop  }
0x6: {  	_ = 	snop  }
0x7: {  	_ = 	snop  }
__scs_overlays_trampoline_lowered:
0x8: {  	[smem:$0x3FAA] =	sst s0  }
0x9: {  	[smem:$0x3FAB] =	sst s1  }
0xa: {  	[smem:$0x3FAC] =	sst s2  }
0xb: {  	[smem:$0x3FAD] =	sst s3  }
0xc: {  	[smem:$0x3FAE] =	sst s4  }
0xd: {  	[smem:$0x3FAF] =	sst s5  }
0xe: {  	[smem:$0x3FB0] =	sst s6  }
0xf: {  	[smem:$0x3FB1] =	sst s7  }
0x10: {  	[smem:$0x3FB2] =	sst s8  }
0x11: {  	[smem:$0x3FB3] =	sst s9;
	s0 =	simm.s32 @!p0 $0x0  }
0x12: {  	s1 =	sld [smem:$0x3F99];
	s0 =	simm.s32 @p0 $0x1  }
0x13: {  	[smem:$0x3FB4] =	sst s0;
	s0 =	simm.s32 @!p1 $0x0  }
0x14: {  	s2 =	sld [smem:$0x3F98];
	s0 =	simm.s32 @p1 $0x1  }
0x15: {  	[smem:$0x3FB5] =	sst s0;
	s0 =	simm.s32 @!p2 $0x0  }
0x16: {  	s3 =	sld [smem:$0x3FDB];
	s0 =	simm.s32 @p2 $0x1  }
0x17: {  	s4 =	simm.s32 $0x1BF5;
	[smem:$0x3FB7] =	sst s0  }
0x18: {  	s0 =	sld [smem:$0x3F9A];
	_ =	swait.ge [sflag:s4], $0x0  }
0x19: {  	s7 =	sld [smem:$0x3F9B]  }
0x1a: {  	s8 =	sadd.s32 $0xFFFFE003, lr  }
0x1b: {  	s9 =	sadd.s32 $0xFFFFFEF7, lr;
	s5 =	simm.s32 $0xFFFFFFFF;
	p2 =	slt.u32 s8, $0xFFFFF086  }
0x1c: {  	p1 =	slt.u32 s9, $0xF7A;
	s5 =	simm.s32 @!p2 $0x0  }
0x1d: {  	s5 =	simm.s32 @p1 $0x1;
	p0 =	seq.s32 s7, s2  }
0x1e: {  	s7 =	smul.u32 @!p0 $0xF7A, s2;
	p2 =	seq.s32 @!p0 s5, $0x0  }
0x1f: {  	s9 =	smul.u32 $0xF7A, s1;
	s8 =	simm.s32 @!p0 $0x1BF5;
	p2 =	por !p2, p0  }
0x20: {  	[sflag:s8] =	ssyncset.s32 @!p0 $0xFFFFF086;
	s6 =	sadd.s32 @!p0 s3, s7;
	s7 =	simm.s32 @!p0 $0x108  }
0x21: {  	s3 =	sadd.s32 s3, s9;
	s6 =	sadd.s32 @!p0 $0x88, s6;
	s7 =	simm.s32 @p2 $0x1082  }
0x22: {  	[simem:s7], [sflag:s8] =	dma.local @!p0 [hbm:s6], $0xF7A  }
0x23: {  	s9 =	sor.u32 $0xD0000000, s2;
	s6 =	simm.s32 $0x108;
	_ =	swait.ge @!p0 [sflag:s8], $0x0  }
0x24: {  	s3 =	sadd.s32 $0x88, s3;
	s6 =	simm.s32 @!p1 $0x1082;
	[sflag:s4] =	ssyncset.s32 $0xFFFFF086  }
0x25: {  	[simem:s6], [sflag:s4] =	dma.local [hbm:s3], $0xF7A  }
0x26: {  	[smem:$0x3F9B] =	sst s1;
	(tag) =	ssettag s2;
	_ =	strace s9  }
0x27: {  	s1 =	sld [smem:$0x3FAB]  }
0x28: {  	s2 =	sld [smem:$0x3FAC]  }
0x29: {  	s4 =	sld [smem:$0x3FAE]  }
0x2a: {  	p0 =	seq.s32 s5, $0x0;
	s5 =	sld [smem:$0x3FAF]  }
0x2b: {  	s6 =	sld [smem:$0x3FB0]  }
0x2c: {  	s7 =	sld [smem:$0x3FB1]  }
0x2d: {  	s3 =	simm.s32 $0x108;
	s8 =	sld [smem:$0x3FB2]  }
0x2e: {  	s3 =	simm.s32 @!p0 $0x1082;
	s9 =	sld [smem:$0x3FB3]  }
0x2f: {  	lr =	sadd.s32 s0, s3;
	s0 =	sld [smem:$0x3FAA]  }
0x30: {  	s3 =	sld [smem:$0x3FAD]  }
0x31: {  	[smem:$0x3FB6] =	sst s10  }
0x32: {  	s10 =	sld [smem:$0x3FB4];
	_ =	sdelay $0x3  }
0x33: {  	p0 =	seq.s32 s10, $0x1;
	s10 =	sld [smem:$0x3FB6];
	_ =	sdelay $0x3  }
0x34: {  	[smem:$0x3FB6] =	sst s10  }
0x35: {  	s10 =	sld [smem:$0x3FB5];
	_ =	sdelay $0x3  }
0x36: {  	p1 =	seq.s32 s10, $0x1;
	s10 =	sld [smem:$0x3FB6];
	_ =	sdelay $0x3  }
0x37: {  	[smem:$0x3FB6] =	sst s10  }
0x38: {  	s10 =	sld [smem:$0x3FB7]  }
0x39: {  	_ = 	snop;
	(pc) =	sbr.ind lr, $3  }
0x3a: {  	_ = 	snop  }
0x3b: {  	_ = 	snop  }
0x3c: {  	p2 =	seq.s32 s10, $0x1;
	s10 =	sld [smem:$0x3FB6]  }
0x3d: {  	_ =	shalt  }
0x3e: {  	_ =	shalt  }
0x3f: {  	_ =	shalt  }
0x40: {  	_ =	shalt  }
0x41: {  	_ =	shalt  }
0x42: {  	_ =	shalt  }
0x43: {  	_ =	shalt  }
0x44: {  	_ =	shalt  }
0x45: {  	_ =	shalt  }
0x46: {  	_ =	shalt  }
0x47: {  	_ =	shalt  }
0x48: {  	_ =	shalt  }
0x49: {  	_ =	shalt  }
0x4a: {  	_ =	shalt  }
0x4b: {  	_ =	shalt  }
0x4c: {  	_ =	shalt  }
0x4d: {  	_ =	shalt  }
0x4e: {  	_ =	shalt  }
0x4f: {  	_ =	shalt  }
0x50: {  	_ =	shalt  }
0x51: {  	_ =	shalt  }
0x52: {  	_ =	shalt  }
0x53: {  	_ =	shalt  }
0x54: {  	_ =	shalt  }
0x55: {  	_ =	shalt  }
0x56: {  	_ =	shalt  }
0x57: {  	_ =	shalt  }
0x58: {  	_ =	shalt  }
0x59: {  	_ =	shalt  }
0x5a: {  	_ =	shalt  }
0x5b: {  	_ =	shalt  }
0x5c: {  	_ =	shalt  }
0x5d: {  	_ =	shalt  }
0x5e: {  	_ =	shalt  }
0x5f: {  	_ =	shalt  }
0x60: {  	_ =	shalt  }
0x61: {  	_ =	shalt  }
0x62: {  	_ =	shalt  }
0x63: {  	_ =	shalt  }
0x64: {  	_ =	shalt  }
0x65: {  	_ =	shalt  }
0x66: {  	_ =	shalt  }
0x67: {  	_ =	shalt  }
0x68: {  	_ =	shalt  }
0x69: {  	_ =	shalt  }
0x6a: {  	_ =	shalt  }
0x6b: {  	_ =	shalt  }
0x6c: {  	_ =	shalt  }
0x6d: {  	_ =	shalt  }
0x6e: {  	_ =	shalt  }
0x6f: {  	_ =	shalt  }
0x70: {  	_ =	shalt  }
0x71: {  	_ =	shalt  }
0x72: {  	_ =	shalt  }
0x73: {  	_ =	shalt  }
0x74: {  	_ =	shalt  }
0x75: {  	_ =	shalt  }
0x76: {  	_ =	shalt  }
0x77: {  	_ =	shalt  }
0x78: {  	_ =	shalt  }
0x79: {  	_ =	shalt  }
0x7a: {  	_ =	shalt  }
0x7b: {  	_ =	shalt  }
0x7c: {  	_ =	shalt  }
0x7d: {  	_ =	shalt  }
0x7e: {  	_ =	shalt  }
0x7f: {  	_ =	shalt  }
0x80: {  	_ =	shalt  }
0x81: {  	_ =	shalt  }
0x82: {  	_ =	shalt  }
0x83: {  	_ =	shalt  }
0x84: {  	_ =	shalt  }
0x85: {  	_ =	shalt  }
0x86: {  	_ =	shalt  }
0x87: {  	_ =	shalt  }
.Lfunc_end0:
.L_simem_size_0:
called_computation.1_lowered:
.L_overlay_start_0:
0x88: {  	s2 =	sld [smem:$0x3FD9]  }
0x89: {  	s3 =	sld [smem:$0x3FFE];
	_ =	sdelay $0x1  }
0x8a: {  	s1 =	srdreg.scid  }
0x8b: {  	s0 =	sand.u32 $0x1, s1  }
0x8c: {  	s17 =	sshll.u32 s0, $0xA;
	s2 =	sadd.s32 s3, s2  }
0x8d: {  	s2 =	sadd.s32 s2, s17  }
0x8e: {  	[smem:$0x3FC2] =	sst s2  }
0x8f: {  	_ = 	snop  }
0x90: {  	s2 =	sld [smem:$0x3FD0];
	(tm) =	ssettm $0x1  }
0x91: {  	s18 =	sld [smem:$0x3FFB];
	_ =	sdelay $0x3  }
0x92: {  	_ =	strace s18  }
0x93: {  	s3 =	sld [smem:$0x3FFC];
	_ =	sdelay $0x3  }
0x94: {  	_ =	strace s3  }
0x95: {  	s3 =	sld [smem:$0x3FFD];
	_ =	sdelay $0x3  }
0x96: {  	_ =	strace s3  }
0x97: {  	_ =	strace $0x8FFFFFFF  }
0x98: {  	s19 =	sld [smem:$0x3FDB];
	_ =	sdelay $0x1  }
0x99: {  	s4 =	simm.s32 $_scs_section_size  }
0x9a: {  	s5 =	simm.s32 $_size__tile_overlayer_lowered;
	s6 =	simm.s32 $_tile_overlayer_lowered  }
0x9b: {  	s22 =	simm.s32 $0x1BFF;
	s21 =	sshll.u32 s6, $0x1;
	s3 =	sadd.s32 s4, s19  }
0x9c: {  	s7 =	simm.s32 $0x0;
	s20 =	sshll.u32 s5, $0x1;
	s5 =	sadd.s32 s21, s3  }
0x9d: {  	[timem:s7], [sflag:s22] =	dma.local [hbm:s5], s20  }
0x9e: {  	_ =	swait.ge [sflag:s22], s20  }
0x9f: {  	s4 =	ssub.s32 $0x0, s20;
	[sflag:s22] =	ssyncset.done $0x0  }
0xa0: {  	[sflag:s22] =	ssyncadd.s32 s4;
	_ =	sdelay $0x1  }
0xa1: {  	s23 =	simm.s32 $0x1B8B  }
0xa2: {  	_ =	swait.ge [sflag:s23], $0x1  }
0xa3: {  	[sflag:s23] =	ssyncset.done $0x0  }
0xa4: {  	s25 =	simm.s32 $0x1B8E;
	s24 =	sld [smem:$0x3FFE];
	[sflag:s23] =	ssyncadd.s32 $0xFFFFFFFF  }
0xa5: {  	s26 =	simm.s32 $execute0_lowered;
	[smem:$0x3FD2] =	sst s25  }
0xa6: {  	s5 =	sshll.u32 s26, $0x1;
	_ =	strace $0x80000049;
	[dreg:$0x1] =	wrdreg $0xFFFFFFFF  }
0xa7: {  	s28 =	simm.s32 $_size_execute0_lowered;
	s3 =	sadd.s32 s3, s5;
	[dreg:$0x0] =	wrdreg $0x0  }
0xa8: {  	s5 =	sshll.u32 s28, $0x1;
	[dreg:$0x2] =	wrdreg s3  }
0xa9: {  	[dreg:$0x3] =	wrdreg s5  }
0xaa: {  	[dreg:$0x4] =	wrdreg $0xC0  }
0xab: {  	_ =	task [dreg:s7], $0x5FFFF  }
0xac: {  	[dreg:$0x1] =	wrdreg $0xFFFFFFFF  }
0xad: {  	[dreg:$0x0] =	wrdreg $0x60  }
0xae: {  	[dreg:$0x2] =	wrdreg s24  }
0xaf: {  	[dreg:$0x3] =	wrdreg s2  }
0xb0: {  	[dreg:$0x4] =	wrdreg $0x88000  }
0xb1: {  	[dreg:$0x5] =	wrdreg $0x9  }
0xb2: {  	_ =	task.clear_ibuf [dreg:s7], $0x6FFFF;
	_ =	strace $0x90000049  }
0xb3: {  	s29 =	simm.s32 $0x9;
	_ =	strace $0x8000004B  }
0xb4: {  	_ =	swait.ge [sflag:s29], $0x1  }
0xb5: {  	[sflag:s29] =	ssyncadd.s32 $0xFFFFFFFF  }
0xb6: {  	_ =	strace $0x9000004B  }
0xb7: {  	_ =	sfence  }
0xb8: {  	s30 =	sld [smem:$0x0];
	_ =	sdelay $0x2  }
0xb9: {  	s31 =	sshll.u32 s1, $0xD;
	s1 =	sshrl.u32 s1, $0x2  }
0xba: {  	s3 =	sand.u32 $0x4000, s31;
	s1 =	sadd.s32 s1, s30  }
0xbb: {  	s0 =	sor.u32 s3, s0;
	s1 =	sshll.u32 s1, $0x11  }
0xbc: {  	s0 =	sor.u32 s1, s0  }
0xbd: {  	s0 =	sadd.s32 $0x8F2B, s0  }
0xbe: {  	[sflag:s0] =	ssyncadd.remote.s32 $0x1  }
0xbf: {  	_ =	sfence.sel $0xFFFF  }
0xc0: {  	[dreg:$0x0] =	wrdreg $0xFFFFFFFF;
	(pc) =	sbr.abs _section_cstart, $3  }
0xc1: {  	[dreg:$0x1] =	wrdreg $0xFFFFFFFF  }
0xc2: {  	_ =	task.clear_ibuf [dreg:s7], $0x2FFFF;
	_ =	strace $0x9FFFFFFF  }
0xc3: {  	(tm) =	ssettm $0x7FFFFFFF  }
tec
execute0_lowered:
.L_overlay_start_1:
0x0: {  	(tag) =	ssettag $0x1  }
0x1: {  	s0 =	srdreg.scid  }
0x2: {  	s1 =	rddreg [dreg:$0x0];
	s14 =	stileid.u32  }
0x3: {  	s2 =	rddreg [dreg:$0x1];
	s15 =	simm.s32 $0x3;
	s16 =	simm.s32 $0x400  }
0x4: {  	s28 =	simm.s32 $0x480;
	s29 =	simm.s32 $0x180;
	s7 =	smul.u32 $0x280, s14  }
0x5: {  	s30 =	simm.s32 $0x500;
	s31 =	simm.s32 $0x200;
	s8 =	smul.u32 $0x50000, s14  }
0x6: {  	s0 =	sand.u32 $0x1, s0;
	s9 =	sadd.s32 $0x15200, s1;
	s26 =	smul.u32 $0x2800, s14  }
0x7: {  	s3 =	sshll.u32 s0, $0x4;
	s6 =	smul.u32 $0x28000, s0;
	s0 =	ssub.s32 $0x2, s0  }
0x8: {  	s4 =	sor.u32 s14, s3;
	s3 =	rddreg [dreg:$0x2];
	s17 =	sshrl.u32 s0, $0x1  }
0x9: {  	s8 =	sshrl.u32 s8, $0x2;
	s13 =	sadd.s32 $0x80, s7;
	s19 =	sadd.s32 $0x100, s7  }
0xa: {  	s21 =	sadd.s32 $0x180, s7;
	s7 =	sadd.s32 $0x200, s7;
	s14 =	simm.s32 $0x800  }
0xb: {  	s5 =	smul.u32 $0x500, s4;
	s4 =	simm.s32 $0x0;
	s0 =	ssub.s32 s0, s17  }
0xc: {  	s20 =	sadd.s32 s8, s3;
	s18 =	sshll.u32 s13, $0x7;
	s22 =	sshll.u32 s19, $0x7  }
0xd: {  	s10 =	sshll.u32 s21, $0x7;
	s25 =	sshll.u32 s7, $0x7;
	s13 =	sshll.u32 s13, $0x4  }
0xe: {  	s8 =	sshll.u32 s21, $0x4;
	s7 =	sshll.u32 s7, $0x4;
	s17 =	simm.s32 $0x80  }
0xf: {  	[smem:$0x7FF] =	sst s4;
	s24 =	sadd.s32 s18, s3;
	s12 =	sadd.s32 s22, s3  }
0x10: {  	s23 =	sadd.s32 s10, s3;
	s0 =	smax.u32 s0, $0x1;
	s18 =	simm.s32 $0x4800  }
0x11: {  	_ =	strace $0x8000004A;
	s5 =	sadd.s32 s5, s1;
	[dreg:$0x4] =	wrdreg s9  }
0x12: {  	s1 =	sadd.s32 s6, s1;
	[dreg:$0x8] =	wrdreg s23;
	s9 =	sadd.s32 s25, s3  }
0x13: {  	s10 =	smov.u32 s12;
	s6 =	sshll.u32 s19, $0x4;
	[dreg:$0xa] =	wrdreg s0  }
0x14: {  	s19 =	simm.s32 $0x1;
	s0 =	simm.s32 $0x280;
	[dreg:$0x6] =	wrdreg s24  }
0x15: {  	s11 =	sadd.s32 $0x1200, s5;
	s1 =	sadd.s32 $0x15A00, s1;
	[dreg:$0x7] =	wrdreg s10  }
0x16: {  	s12 =	sadd.s32 $0xB200, s5;
	[dreg:$0x9] =	wrdreg s9;
	s21 =	sadd.s32 s26, s1  }
0x17: {  	s5 =	simm.s32 $0x600;
	s22 =	sadd.s32 s13, s1;
	[dreg:$0xb] =	wrdreg s21  }
0x18: {  	s23 =	sadd.s32 s6, s1;
	s25 =	sadd.s32 s8, s1;
	[dreg:$0xc] =	wrdreg s22  }
0x19: {  	s8 =	smov.u32 s20;
	s26 =	sadd.s32 s7, s1;
	[dreg:$0xd] =	wrdreg s23  }
0x1a: {  	s1 =	simm.s32 $0x580;
	s13 =	simm.s32 $0x300;
	[dreg:$0xe] =	wrdreg s25  }
0x1b: {  	s20 =	simm.s32 $0x680;
	s7 =	simm.s32 $0x0;
	[dreg:$0xf] =	wrdreg s26  }
0x1c: {  	s25 =	simm.s32 $0x100;
	s26 =	simm.s32 $0x2;
	s21 =	simm.s32 $0x380  }
0x1d: {  	s22 =	simm.s32 $0x700;
	s23 =	simm.s32 $0x780;
	[dreg:$0x5] =	wrdreg s8  }
.LBB2_1:
0x1e: {  	[dreg:$0x10] =	wrdreg s7  }
0x1f: {  	s6 =	rddreg [dreg:$0x4]  }
0x20: {  	[tilespmem:s14], [sflag:$0x3] =	stream.linear.gather [hbm4b:s6+s4], $0x4000, $0x38;
	[tilespmem:$0x1C800] =	vst v63  }
0x21: {  	_ =	swait.ge [sflag:s15], $0x4000  }
0x22: {  	[sflag:s15] =	ssyncset.done $0x0  }
0x23: {  	[sflag:s15] =	ssyncadd.s32 $0xFFFFC000  }
0x24: {  	[spmem:s8] =	stream.linear.scatter [tilespmem:s14], [sflag:$0x3], $0x4000, $0x38;
	[tilespmem:$0x1C800] =	vst v63  }
0x25: {  	_ =	swait.ge [sflag:s15], $0x4000  }
0x26: {  	[sflag:s15] =	ssyncset.done $0x0  }
0x27: {  	[sflag:s15] =	ssyncadd.s32 $0xFFFFC000  }
0x28: {  	[spmem:s24] =	stream.linear.scatter [tilespmem:s14], [sflag:$0x3], $0x4000, $0x38;
	[tilespmem:$0x1C800] =	vst v63  }
0x29: {  	_ =	swait.ge [sflag:s15], $0x4000  }
0x2a: {  	[sflag:s15] =	ssyncset.done $0x0  }
0x2b: {  	[sflag:s15] =	ssyncadd.s32 $0xFFFFC000  }
0x2c: {  	[spmem:s10] =	stream.linear.scatter [tilespmem:s14], [sflag:$0x3], $0x4000, $0x38;
	[tilespmem:$0x1C800] =	vst v63  }
0x2d: {  	_ =	swait.ge [sflag:s15], $0x4000  }
0x2e: {  	[sflag:s15] =	ssyncset.done $0x0  }
0x2f: {  	s8 =	rddreg [dreg:$0x8];
	[sflag:s15] =	ssyncadd.s32 $0xFFFFC000  }
0x30: {  	[spmem:s8] =	stream.linear.scatter [tilespmem:s14], [sflag:$0x3], $0x4000, $0x38;
	[tilespmem:$0x1C800] =	vst v63  }
0x31: {  	_ =	swait.ge [sflag:s15], $0x4000  }
0x32: {  	[sflag:s15] =	ssyncset.done $0x0  }
0x33: {  	[sflag:s15] =	ssyncadd.s32 $0xFFFFC000  }
0x34: {  	[spmem:s9] =	stream.linear.scatter [tilespmem:s14], [sflag:$0x3], $0x4000, $0x38;
	[tilespmem:$0x1C800] =	vst v63  }
0x35: {  	_ =	swait.ge [sflag:s15], $0x4000  }
0x36: {  	[sflag:s15] =	ssyncset.done $0x0  }
0x37: {  	[sflag:s15] =	ssyncadd.s32 $0xFFFFC000  }
0x38: {  	s10 =	sadd.s32 $0x0, s11;
	[bflag:$0x0] =	sbarrier.arrive $0xFFFF  }
0x39: {  	[tilespmem:s4], [sflag:$0x3] =	stream.linear.gather [hbm4b:s10+s4], $0x400, $0x38;
	[tilespmem:$0x1C800] =	vst v63  }
0x3a: {  	_ =	swait.ge [sflag:s15], $0x400  }
0x3b: {  	[sflag:s15] =	ssyncset.done $0x0  }
0x3c: {  	s24 =	sadd.s32 $0x0, s12;
	[sflag:s15] =	ssyncadd.s32 $0xFFFFFC00  }
0x3d: {  	[tilespmem:s16], [sflag:$0x3] =	stream.linear.gather [hbm4b:s24+s4], $0x400, $0x38;
	[tilespmem:$0x1C800] =	vst v63  }
0x3e: {  	_ =	swait.ge [sflag:s15], $0x400  }
0x3f: {  	[sflag:s15] =	ssyncset.done $0x0  }
0x40: {  	[sflag:s15] =	ssyncadd.s32 $0xFFFFFC00  }
0x41: {  	[tilespmem:s14], [sflag:$0x1] =	stream.indirect.gather [hbm4b:s2+s17], $0x80, s4, s17, $0xb8;
	[tilespmem:$0x1C800] =	vst v63  }
0x42: {  	_ = 	snop  }
0x43: {  	[tilespmem:s18], [sflag:$0x2] =	stream.indirect.gather [hbm4b:s2+s17], $0x80, s17, s17, $0xb8;
	[tilespmem:$0x1C800] =	vst v63  }
0x44: {  	_ =	swait.ge [sflag:s19], $0x4000  }
0x45: {  	[sflag:s19] =	ssyncset.done $0x0  }
0x46: {  	[sflag:s19] =	ssyncadd.s32 $0xFFFFC000  }
0x47: {  	[spmem:s3] =	stream.indirect.scatter.add.f32 [tilespmem:s14], [sflag:$0x3], $0x80, s16, s17, $0xb8;
	[tilespmem:$0x1C800] =	vst v63  }
0x48: {  	_ =	swait.ge [sflag:s15], $0x4000  }
0x49: {  	[sflag:s15] =	ssyncset.done $0x0  }
0x4a: {  	[sflag:s15] =	ssyncadd.s32 $0xFFFFC000  }
0x4b: {  	[tilespmem:s14], [sflag:$0x1] =	stream.indirect.gather [hbm4b:s2+s17], $0x80, s25, s17, $0xb8;
	[tilespmem:$0x1C800] =	vst v63  }
0x4c: {  	_ =	swait.ge [sflag:s26], $0x4000  }
0x4d: {  	[sflag:s26] =	ssyncset.done $0x0  }
0x4e: {  	[sflag:s26] =	ssyncadd.s32 $0xFFFFC000  }
0x4f: {  	[spmem:s3] =	stream.indirect.scatter.add.f32 [tilespmem:s18], [sflag:$0x3], $0x80, s28, s17, $0xb8;
	[tilespmem:$0x1C800] =	vst v63  }
0x50: {  	_ =	swait.ge [sflag:s15], $0x4000  }
0x51: {  	[sflag:s15] =	ssyncset.done $0x0  }
0x52: {  	[sflag:s15] =	ssyncadd.s32 $0xFFFFC000  }
0x53: {  	[tilespmem:s18], [sflag:$0x2] =	stream.indirect.gather [hbm4b:s2+s17], $0x80, s29, s17, $0xb8;
	[tilespmem:$0x1C800] =	vst v63  }
0x54: {  	_ =	swait.ge [sflag:s19], $0x4000  }
0x55: {  	[sflag:s19] =	ssyncset.done $0x0  }
0x56: {  	[sflag:s19] =	ssyncadd.s32 $0xFFFFC000  }
0x57: {  	[spmem:s3] =	stream.indirect.scatter.add.f32 [tilespmem:s14], [sflag:$0x3], $0x80, s30, s17, $0xb8;
	[tilespmem:$0x1C800] =	vst v63  }
0x58: {  	_ =	swait.ge [sflag:s15], $0x4000  }
0x59: {  	[sflag:s15] =	ssyncset.done $0x0  }
0x5a: {  	[sflag:s15] =	ssyncadd.s32 $0xFFFFC000  }
0x5b: {  	[tilespmem:s14], [sflag:$0x1] =	stream.indirect.gather [hbm4b:s2+s17], $0x80, s31, s17, $0xb8;
	[tilespmem:$0x1C800] =	vst v63  }
0x5c: {  	_ =	swait.ge [sflag:s26], $0x4000  }
0x5d: {  	[sflag:s26] =	ssyncset.done $0x0  }
0x5e: {  	[sflag:s26] =	ssyncadd.s32 $0xFFFFC000  }
0x5f: {  	[spmem:s3] =	stream.indirect.scatter.add.f32 [tilespmem:s18], [sflag:$0x3], $0x80, s1, s17, $0xb8;
	[tilespmem:$0x1C800] =	vst v63  }
0x60: {  	_ =	swait.ge [sflag:s15], $0x4000  }
0x61: {  	[sflag:s15] =	ssyncset.done $0x0  }
0x62: {  	[sflag:s15] =	ssyncadd.s32 $0xFFFFC000  }
0x63: {  	[tilespmem:s18], [sflag:$0x2] =	stream.indirect.gather [hbm4b:s2+s17], $0x80, s0, s17, $0xb8;
	[tilespmem:$0x1C800] =	vst v63  }
0x64: {  	_ =	swait.ge [sflag:s19], $0x4000  }
0x65: {  	[sflag:s19] =	ssyncset.done $0x0  }
0x66: {  	[sflag:s19] =	ssyncadd.s32 $0xFFFFC000  }
0x67: {  	[spmem:s3] =	stream.indirect.scatter.add.f32 [tilespmem:s14], [sflag:$0x3], $0x80, s5, s17, $0xb8;
	[tilespmem:$0x1C800] =	vst v63  }
0x68: {  	_ =	swait.ge [sflag:s15], $0x4000  }
0x69: {  	[sflag:s15] =	ssyncset.done $0x0  }
0x6a: {  	[sflag:s15] =	ssyncadd.s32 $0xFFFFC000  }
0x6b: {  	[tilespmem:s14], [sflag:$0x1] =	stream.indirect.gather [hbm4b:s2+s17], $0x80, s13, s17, $0xb8;
	[tilespmem:$0x1C800] =	vst v63  }
0x6c: {  	_ =	swait.ge [sflag:s26], $0x4000  }
0x6d: {  	[sflag:s26] =	ssyncset.done $0x0  }
0x6e: {  	[sflag:s26] =	ssyncadd.s32 $0xFFFFC000  }
0x6f: {  	[spmem:s3] =	stream.indirect.scatter.add.f32 [tilespmem:s18], [sflag:$0x3], $0x80, s20, s17, $0xb8;
	[tilespmem:$0x1C800] =	vst v63  }
0x70: {  	_ =	swait.ge [sflag:s15], $0x4000  }
0x71: {  	[sflag:s15] =	ssyncset.done $0x0  }
0x72: {  	[sflag:s15] =	ssyncadd.s32 $0xFFFFC000  }
0x73: {  	[tilespmem:s18], [sflag:$0x2] =	stream.indirect.gather [hbm4b:s2+s17], $0x80, s21, s17, $0xb8;
	[tilespmem:$0x1C800] =	vst v63  }
0x74: {  	_ =	swait.ge [sflag:s19], $0x4000  }
0x75: {  	[sflag:s19] =	ssyncset.done $0x0  }
0x76: {  	[sflag:s19] =	ssyncadd.s32 $0xFFFFC000  }
0x77: {  	[spmem:s3] =	stream.indirect.scatter.add.f32 [tilespmem:s14], [sflag:$0x3], $0x80, s22, s17, $0xb8;
	[tilespmem:$0x1C800] =	vst v63  }
0x78: {  	_ =	swait.ge [sflag:s15], $0x4000  }
0x79: {  	[sflag:s15] =	ssyncset.done $0x0  }
0x7a: {  	[sflag:s15] =	ssyncadd.s32 $0xFFFFC000  }
0x7b: {  	_ =	swait.ge [sflag:s26], $0x4000  }
0x7c: {  	[sflag:s26] =	ssyncset.done $0x0  }
0x7d: {  	[sflag:s26] =	ssyncadd.s32 $0xFFFFC000  }
0x7e: {  	[spmem:s3] =	stream.indirect.scatter.add.f32 [tilespmem:s18], [sflag:$0x3], $0x80, s23, s17, $0xb8;
	[tilespmem:$0x1C800] =	vst v63  }
0x7f: {  	_ =	swait.ge [sflag:s15], $0x4000  }
0x80: {  	s7 =	simm.s32 $0x100;
	s6 =	simm.s32 $0x80;
	[sflag:s15] =	ssyncset.done $0x0  }
.LBB2_2:
0x81: {  	s9 =	sadd.s32 s6, s11  }
0x82: {  	[sflag:s15] =	ssyncadd.s32 $0xFFFFC000;
	s10 =	smov.u32 s7;
	s8 =	sadd.s32 $0x80, s7  }
0x83: {  	[tilespmem:s4], [sflag:$0x3] =	stream.linear.gather [hbm4b:s9+s4], $0x400, $0x38;
	[tilespmem:$0x1C800] =	vst v63  }
0x84: {  	p0 =	sne.s32 s7, $0x480;
	_ =	swait.ge [sflag:s15], $0x400  }
0x85: {  	[sflag:s15] =	ssyncset.done $0x0  }
0x86: {  	s7 =	sadd.s32 s6, s12;
	s6 =	smov.u32 s10;
	[sflag:s15] =	ssyncadd.s32 $0xFFFFFC00  }
0x87: {  	[tilespmem:s16], [sflag:$0x3] =	stream.linear.gather [hbm4b:s7+s4], $0x400, $0x38;
	[tilespmem:$0x1C800] =	vst v63  }
0x88: {  	_ =	swait.ge [sflag:s15], $0x400  }
0x89: {  	[sflag:s15] =	ssyncset.done $0x0  }
0x8a: {  	[sflag:s15] =	ssyncadd.s32 $0xFFFFFC00  }
0x8b: {  	[tilespmem:s14], [sflag:$0x1] =	stream.indirect.gather [hbm4b:s2+s17], $0x80, s4, s17, $0xb8;
	[tilespmem:$0x1C800] =	vst v63  }
0x8c: {  	_ = 	snop  }
0x8d: {  	[tilespmem:s18], [sflag:$0x2] =	stream.indirect.gather [hbm4b:s2+s17], $0x80, s17, s17, $0xb8;
	[tilespmem:$0x1C800] =	vst v63  }
0x8e: {  	_ =	swait.ge [sflag:s19], $0x4000  }
0x8f: {  	[sflag:s19] =	ssyncset.done $0x0  }
0x90: {  	[sflag:s19] =	ssyncadd.s32 $0xFFFFC000  }
0x91: {  	[spmem:s3] =	stream.indirect.scatter.add.f32 [tilespmem:s14], [sflag:$0x3], $0x80, s16, s17, $0xb8;
	[tilespmem:$0x1C800] =	vst v63  }
0x92: {  	_ =	swait.ge [sflag:s15], $0x4000  }
0x93: {  	[sflag:s15] =	ssyncset.done $0x0  }
0x94: {  	[sflag:s15] =	ssyncadd.s32 $0xFFFFC000  }
0x95: {  	[tilespmem:s14], [sflag:$0x1] =	stream.indirect.gather [hbm4b:s2+s17], $0x80, s25, s17, $0xb8;
	[tilespmem:$0x1C800] =	vst v63  }
0x96: {  	_ =	swait.ge [sflag:s26], $0x4000  }
0x97: {  	[sflag:s26] =	ssyncset.done $0x0  }
0x98: {  	[sflag:s26] =	ssyncadd.s32 $0xFFFFC000  }
0x99: {  	[spmem:s3] =	stream.indirect.scatter.add.f32 [tilespmem:s18], [sflag:$0x3], $0x80, s28, s17, $0xb8;
	[tilespmem:$0x1C800] =	vst v63  }
0x9a: {  	_ =	swait.ge [sflag:s15], $0x4000  }
0x9b: {  	[sflag:s15] =	ssyncset.done $0x0  }
0x9c: {  	[sflag:s15] =	ssyncadd.s32 $0xFFFFC000  }
0x9d: {  	[tilespmem:s18], [sflag:$0x2] =	stream.indirect.gather [hbm4b:s2+s17], $0x80, s29, s17, $0xb8;
	[tilespmem:$0x1C800] =	vst v63  }
0x9e: {  	_ =	swait.ge [sflag:s19], $0x4000  }
0x9f: {  	[sflag:s19] =	ssyncset.done $0x0  }
0xa0: {  	[sflag:s19] =	ssyncadd.s32 $0xFFFFC000  }
0xa1: {  	[spmem:s3] =	stream.indirect.scatter.add.f32 [tilespmem:s14], [sflag:$0x3], $0x80, s30, s17, $0xb8;
	[tilespmem:$0x1C800] =	vst v63  }
0xa2: {  	_ =	swait.ge [sflag:s15], $0x4000  }
0xa3: {  	[sflag:s15] =	ssyncset.done $0x0  }
0xa4: {  	[sflag:s15] =	ssyncadd.s32 $0xFFFFC000  }
0xa5: {  	[tilespmem:s14], [sflag:$0x1] =	stream.indirect.gather [hbm4b:s2+s17], $0x80, s31, s17, $0xb8;
	[tilespmem:$0x1C800] =	vst v63  }
0xa6: {  	_ =	swait.ge [sflag:s26], $0x4000  }
0xa7: {  	[sflag:s26] =	ssyncset.done $0x0  }
0xa8: {  	[sflag:s26] =	ssyncadd.s32 $0xFFFFC000  }
0xa9: {  	[spmem:s3] =	stream.indirect.scatter.add.f32 [tilespmem:s18], [sflag:$0x3], $0x80, s1, s17, $0xb8;
	[tilespmem:$0x1C800] =	vst v63  }
0xaa: {  	_ =	swait.ge [sflag:s15], $0x4000  }
0xab: {  	[sflag:s15] =	ssyncset.done $0x0  }
0xac: {  	[sflag:s15] =	ssyncadd.s32 $0xFFFFC000  }
0xad: {  	[tilespmem:s18], [sflag:$0x2] =	stream.indirect.gather [hbm4b:s2+s17], $0x80, s0, s17, $0xb8;
	[tilespmem:$0x1C800] =	vst v63  }
0xae: {  	_ =	swait.ge [sflag:s19], $0x4000  }
0xaf: {  	[sflag:s19] =	ssyncset.done $0x0  }
0xb0: {  	[sflag:s19] =	ssyncadd.s32 $0xFFFFC000  }
0xb1: {  	[spmem:s3] =	stream.indirect.scatter.add.f32 [tilespmem:s14], [sflag:$0x3], $0x80, s5, s17, $0xb8;
	[tilespmem:$0x1C800] =	vst v63  }
0xb2: {  	_ =	swait.ge [sflag:s15], $0x4000  }
0xb3: {  	[sflag:s15] =	ssyncset.done $0x0  }
0xb4: {  	[sflag:s15] =	ssyncadd.s32 $0xFFFFC000  }
0xb5: {  	[tilespmem:s14], [sflag:$0x1] =	stream.indirect.gather [hbm4b:s2+s17], $0x80, s13, s17, $0xb8;
	[tilespmem:$0x1C800] =	vst v63  }
0xb6: {  	_ =	swait.ge [sflag:s26], $0x4000  }
0xb7: {  	[sflag:s26] =	ssyncset.done $0x0  }
0xb8: {  	[sflag:s26] =	ssyncadd.s32 $0xFFFFC000  }
0xb9: {  	[spmem:s3] =	stream.indirect.scatter.add.f32 [tilespmem:s18], [sflag:$0x3], $0x80, s20, s17, $0xb8;
	[tilespmem:$0x1C800] =	vst v63  }
0xba: {  	_ =	swait.ge [sflag:s15], $0x4000  }
0xbb: {  	[sflag:s15] =	ssyncset.done $0x0  }
0xbc: {  	[sflag:s15] =	ssyncadd.s32 $0xFFFFC000  }
0xbd: {  	[tilespmem:s18], [sflag:$0x2] =	stream.indirect.gather [hbm4b:s2+s17], $0x80, s21, s17, $0xb8;
	[tilespmem:$0x1C800] =	vst v63  }
0xbe: {  	_ =	swait.ge [sflag:s19], $0x4000  }
0xbf: {  	[sflag:s19] =	ssyncset.done $0x0  }
0xc0: {  	[sflag:s19] =	ssyncadd.s32 $0xFFFFC000  }
0xc1: {  	[spmem:s3] =	stream.indirect.scatter.add.f32 [tilespmem:s14], [sflag:$0x3], $0x80, s22, s17, $0xb8;
	[tilespmem:$0x1C800] =	vst v63  }
0xc2: {  	_ =	swait.ge [sflag:s15], $0x4000  }
0xc3: {  	[sflag:s15] =	ssyncset.done $0x0  }
0xc4: {  	[sflag:s15] =	ssyncadd.s32 $0xFFFFC000  }
0xc5: {  	_ =	swait.ge [sflag:s26], $0x4000  }
.Ltmp0:
0xc6: {  	[sflag:s26] =	ssyncset.done $0x0;
	(pc) =	sbr.rel @p0 .LBB2_2-.Ltmp0, $4  }
0xc7: {  	[sflag:s26] =	ssyncadd.s32 $0xFFFFC000  }
0xc8: {  	[spmem:s3] =	stream.indirect.scatter.add.f32 [tilespmem:s18], [sflag:$0x3], $0x80, s23, s17, $0xb8;
	[tilespmem:$0x1C800] =	vst v63  }
0xc9: {  	_ =	swait.ge [sflag:s15], $0x4000  }
0xca: {  	s7 =	smov.u32 s8;
	[sflag:s15] =	ssyncset.done $0x0  }
0xcb: {  	s7 =	sadd.s32 s6, s11;
	[sflag:s15] =	ssyncadd.s32 $0xFFFFC000  }
0xcc: {  	[tilespmem:s4], [sflag:$0x3] =	stream.linear.gather [hbm4b:s7+s4], $0x400, $0x38;
	[tilespmem:$0x1C800] =	vst v63  }
0xcd: {  	_ =	swait.ge [sflag:s15], $0x400  }
0xce: {  	[sflag:s15] =	ssyncset.done $0x0  }
0xcf: {  	s9 =	sadd.s32 s6, s12;
	[sflag:s15] =	ssyncadd.s32 $0xFFFFFC00  }
0xd0: {  	[tilespmem:s16], [sflag:$0x3] =	stream.linear.gather [hbm4b:s9+s4], $0x400, $0x38;
	[tilespmem:$0x1C800] =	vst v63  }
0xd1: {  	_ =	swait.ge [sflag:s15], $0x400  }
0xd2: {  	[sflag:s15] =	ssyncset.done $0x0  }
0xd3: {  	[sflag:s15] =	ssyncadd.s32 $0xFFFFFC00  }
0xd4: {  	[tilespmem:s14], [sflag:$0x1] =	stream.indirect.gather [hbm4b:s2+s17], $0x80, s4, s17, $0xb8;
	[tilespmem:$0x1C800] =	vst v63  }
0xd5: {  	_ = 	snop  }
0xd6: {  	[tilespmem:s18], [sflag:$0x2] =	stream.indirect.gather [hbm4b:s2+s17], $0x80, s17, s17, $0xb8;
	[tilespmem:$0x1C800] =	vst v63  }
0xd7: {  	_ =	swait.ge [sflag:s19], $0x4000  }
0xd8: {  	[sflag:s19] =	ssyncset.done $0x0  }
0xd9: {  	[sflag:s19] =	ssyncadd.s32 $0xFFFFC000  }
0xda: {  	[spmem:s3] =	stream.indirect.scatter.add.f32 [tilespmem:s14], [sflag:$0x3], $0x80, s16, s17, $0xb8;
	[tilespmem:$0x1C800] =	vst v63  }
0xdb: {  	_ =	swait.ge [sflag:s15], $0x4000  }
0xdc: {  	[sflag:s15] =	ssyncset.done $0x0  }
0xdd: {  	[sflag:s15] =	ssyncadd.s32 $0xFFFFC000  }
0xde: {  	[tilespmem:s14], [sflag:$0x1] =	stream.indirect.gather [hbm4b:s2+s17], $0x80, s25, s17, $0xb8;
	[tilespmem:$0x1C800] =	vst v63  }
0xdf: {  	_ =	swait.ge [sflag:s26], $0x4000  }
0xe0: {  	[sflag:s26] =	ssyncset.done $0x0  }
0xe1: {  	[sflag:s26] =	ssyncadd.s32 $0xFFFFC000  }
0xe2: {  	[spmem:s3] =	stream.indirect.scatter.add.f32 [tilespmem:s18], [sflag:$0x3], $0x80, s28, s17, $0xb8;
	[tilespmem:$0x1C800] =	vst v63  }
0xe3: {  	_ =	swait.ge [sflag:s15], $0x4000  }
0xe4: {  	[sflag:s15] =	ssyncset.done $0x0  }
0xe5: {  	[sflag:s15] =	ssyncadd.s32 $0xFFFFC000  }
0xe6: {  	[tilespmem:s18], [sflag:$0x2] =	stream.indirect.gather [hbm4b:s2+s17], $0x80, s29, s17, $0xb8;
	[tilespmem:$0x1C800] =	vst v63  }
0xe7: {  	_ =	swait.ge [sflag:s19], $0x4000  }
0xe8: {  	[sflag:s19] =	ssyncset.done $0x0  }
0xe9: {  	[sflag:s19] =	ssyncadd.s32 $0xFFFFC000  }
0xea: {  	[spmem:s3] =	stream.indirect.scatter.add.f32 [tilespmem:s14], [sflag:$0x3], $0x80, s30, s17, $0xb8;
	[tilespmem:$0x1C800] =	vst v63  }
0xeb: {  	_ =	swait.ge [sflag:s15], $0x4000  }
0xec: {  	[sflag:s15] =	ssyncset.done $0x0  }
0xed: {  	[sflag:s15] =	ssyncadd.s32 $0xFFFFC000  }
0xee: {  	[tilespmem:s14], [sflag:$0x1] =	stream.indirect.gather [hbm4b:s2+s17], $0x80, s31, s17, $0xb8;
	[tilespmem:$0x1C800] =	vst v63  }
0xef: {  	_ =	swait.ge [sflag:s26], $0x4000  }
0xf0: {  	[sflag:s26] =	ssyncset.done $0x0  }
0xf1: {  	[sflag:s26] =	ssyncadd.s32 $0xFFFFC000  }
0xf2: {  	[spmem:s3] =	stream.indirect.scatter.add.f32 [tilespmem:s18], [sflag:$0x3], $0x80, s1, s17, $0xb8;
	[tilespmem:$0x1C800] =	vst v63  }
0xf3: {  	_ =	swait.ge [sflag:s15], $0x4000  }
0xf4: {  	[sflag:s15] =	ssyncset.done $0x0  }
0xf5: {  	[sflag:s15] =	ssyncadd.s32 $0xFFFFC000  }
0xf6: {  	[tilespmem:s18], [sflag:$0x2] =	stream.indirect.gather [hbm4b:s2+s17], $0x80, s0, s17, $0xb8;
	[tilespmem:$0x1C800] =	vst v63  }
0xf7: {  	_ =	swait.ge [sflag:s19], $0x4000  }
0xf8: {  	[sflag:s19] =	ssyncset.done $0x0  }
0xf9: {  	[sflag:s19] =	ssyncadd.s32 $0xFFFFC000  }
0xfa: {  	[spmem:s3] =	stream.indirect.scatter.add.f32 [tilespmem:s14], [sflag:$0x3], $0x80, s5, s17, $0xb8;
	[tilespmem:$0x1C800] =	vst v63  }
0xfb: {  	_ =	swait.ge [sflag:s15], $0x4000  }
0xfc: {  	[sflag:s15] =	ssyncset.done $0x0  }
0xfd: {  	[sflag:s15] =	ssyncadd.s32 $0xFFFFC000  }
0xfe: {  	[tilespmem:s14], [sflag:$0x1] =	stream.indirect.gather [hbm4b:s2+s17], $0x80, s13, s17, $0xb8;
	[tilespmem:$0x1C800] =	vst v63  }
0xff: {  	_ =	swait.ge [sflag:s26], $0x4000  }
0x100: {  	[sflag:s26] =	ssyncset.done $0x0  }
0x101: {  	[sflag:s26] =	ssyncadd.s32 $0xFFFFC000  }
0x102: {  	[spmem:s3] =	stream.indirect.scatter.add.f32 [tilespmem:s18], [sflag:$0x3], $0x80, s20, s17, $0xb8;
	[tilespmem:$0x1C800] =	vst v63  }
0x103: {  	_ =	swait.ge [sflag:s15], $0x4000  }
0x104: {  	[sflag:s15] =	ssyncset.done $0x0  }
0x105: {  	[sflag:s15] =	ssyncadd.s32 $0xFFFFC000  }
0x106: {  	[tilespmem:s18], [sflag:$0x2] =	stream.indirect.gather [hbm4b:s2+s17], $0x80, s21, s17, $0xb8;
	[tilespmem:$0x1C800] =	vst v63  }
0x107: {  	_ =	swait.ge [sflag:s19], $0x4000  }
0x108: {  	[sflag:s19] =	ssyncset.done $0x0  }
0x109: {  	[sflag:s19] =	ssyncadd.s32 $0xFFFFC000  }
0x10a: {  	[spmem:s3] =	stream.indirect.scatter.add.f32 [tilespmem:s14], [sflag:$0x3], $0x80, s22, s17, $0xb8;
	[tilespmem:$0x1C800] =	vst v63  }
0x10b: {  	_ =	swait.ge [sflag:s15], $0x4000  }
0x10c: {  	[sflag:s15] =	ssyncset.done $0x0  }
0x10d: {  	[sflag:s15] =	ssyncadd.s32 $0xFFFFC000  }
0x10e: {  	_ =	swait.ge [sflag:s26], $0x4000  }
0x10f: {  	[sflag:s26] =	ssyncset.done $0x0  }
0x110: {  	[sflag:s26] =	ssyncadd.s32 $0xFFFFC000  }
0x111: {  	[spmem:s3] =	stream.indirect.scatter.add.f32 [tilespmem:s18], [sflag:$0x3], $0x80, s23, s17, $0xb8;
	[tilespmem:$0x1C800] =	vst v63  }
0x112: {  	_ =	swait.ge [sflag:s15], $0x4000  }
0x113: {  	[sflag:s15] =	ssyncset.done $0x0  }
0x114: {  	[sflag:s15] =	ssyncadd.s32 $0xFFFFC000  }
0x115: {  	s10 =	stileid.u32;
	[bflag:$0x0] =	sbarrier.arrive $0xFFFF  }
0x116: {  	s6 =	sshll.u32 s10, $0x6;
	s8 =	rddreg [dreg:$0x5]  }
0x117: {  	s6 =	sor.u32 $0x1C03, s6;
	s9 =	rddreg [dreg:$0xb];
	s24 =	sshrl.u32 s8, $0x3  }
0x118: {  	[hbm:s9], [sflag:s6] =	dma.local [spmem:s24], $0x800  }
0x119: {  	_ =	swait.ge [sflag:s15], $0x800  }
0x11a: {  	[sflag:s15] =	ssyncset.done $0x0;
	s10 =	rddreg [dreg:$0x6]  }
0x11b: {  	s24 =	rddreg [dreg:$0xc];
	[sflag:s15] =	ssyncadd.s32 $0xFFFFF800;
	s7 =	sshrl.u32 s10, $0x3  }
0x11c: {  	[hbm:s24], [sflag:s6] =	dma.local [spmem:s7], $0x800  }
0x11d: {  	_ =	swait.ge [sflag:s15], $0x800  }
0x11e: {  	[sflag:s15] =	ssyncset.done $0x0;
	s10 =	rddreg [dreg:$0x7]  }
0x11f: {  	s24 =	rddreg [dreg:$0xd];
	[sflag:s15] =	ssyncadd.s32 $0xFFFFF800;
	s9 =	sshrl.u32 s10, $0x3  }
0x120: {  	[hbm:s24], [sflag:s6] =	dma.local [spmem:s9], $0x800  }
0x121: {  	_ =	swait.ge [sflag:s15], $0x800  }
0x122: {  	[sflag:s15] =	ssyncset.done $0x0;
	s9 =	rddreg [dreg:$0x8]  }
0x123: {  	s24 =	rddreg [dreg:$0xe];
	[sflag:s15] =	ssyncadd.s32 $0xFFFFF800;
	s7 =	sshrl.u32 s9, $0x3  }
0x124: {  	[hbm:s24], [sflag:s6] =	dma.local [spmem:s7], $0x800  }
0x125: {  	_ =	swait.ge [sflag:s15], $0x800  }
0x126: {  	[sflag:s15] =	ssyncset.done $0x0;
	s9 =	rddreg [dreg:$0x9]  }
0x127: {  	s24 =	rddreg [dreg:$0xf];
	[sflag:s15] =	ssyncadd.s32 $0xFFFFF800;
	s7 =	sshrl.u32 s9, $0x3  }
0x128: {  	[hbm:s24], [sflag:s6] =	dma.local [spmem:s7], $0x800  }
0x129: {  	s24 =	rddreg [dreg:$0x6];
	_ =	swait.ge [sflag:s15], $0x800  }
0x12a: {  	s6 =	rddreg [dreg:$0x10]  }
0x12b: {  	s7 =	sadd.s32 $0x1, s6;
	s6 =	rddreg [dreg:$0xa]  }
0x12c: {  	p0 =	sne.s32 s7, s6  }
.Ltmp1:
0x12d: {  	_ = 	snop;
	(pc) =	sbr.rel @p0 .LBB2_1-.Ltmp1, $3  }
0x12e: {  	_ =	sdelay $0x1  }
0x12f: {  	[sflag:s15] =	ssyncset.done $0x0  }
0x130: {  	[sflag:s15] =	ssyncadd.s32 $0xFFFFF800  }
0x131: {  	_ =	sfence.sel $0x180000  }
0x132: {  	[bflag:$0x0] =	sbarrier.arrive $0xFFFF  }
0x133: {  	_ =	strace $0x9000004A  }
0x134: {  	s0 =	stileid.u32;
	[bflag:$0x2] =	sbarrier.arrive $0xFFFF  }
0x135: {  	p0 =	sne.s32 s0, $0x0;
	s0 =	rddreg [dreg:$0x3]  }
0x136: {  	s0 =	sadd.s32 @!p0 $0x100000, s0  }
0x137: {  	[sflag:s0] =	ssyncadd.tile.s32 @!p0 $0x1;
	_ =	shalt  }
.Lfunc_end2:
_tile_overlayer_lowered:
.L_overlay_start_2:
0x138: {  	(tag) =	ssettag $0x2  }
0x139: {  	s0 =	rddreg [dreg:$0x0];
	s2 =	stileid.u32  }
0x13a: {  	s1 =	rddreg [dreg:$0x1];
	p0 =	sne.s32 s2, $0x0  }
0x13b: {  	s3 =	rddreg [dreg:$0x2];
	[bflag:$0x3] =	sbarrier.arrive $0xFFFF;
	s2 =	simm.s32 @!p0 $0x1C03  }
0x13c: {  	[timem:s3], [sflag:s2] =	dma.local @!p0 [hbm:s0], s1  }
0x13d: {  	s0 =	simm.s32 @!p0 $0x3  }
0x13e: {  	_ =	swait.ge @!p0 [sflag:s0], s1  }
0x13f: {  	s1 =	ssub.s32 @!p0 $0x0, s1;
	[sflag:s0] =	ssyncset.done @!p0 $0x0  }
0x140: {  	[sflag:s0] =	ssyncadd.s32 @!p0 s1  }
0x141: {  	[bflag:$0x3] =	sbarrier.arrive $0xFFFF  }
0x142: {  	_ =	shalt  }

</sc_bundles>
